<compile_context>
chip_gen: v7x
topology: tpu7x:2x2x1
jax: 0.10.2.dev20260603
libtpu: 0.0.44.dev20260713+nightly
codegen_flags: <defaults>
</compile_context>

<pallas_src>
import functools

import jax
import jax.numpy as jnp
from jax import lax
from jax.experimental import pallas as pl
from jax.experimental.pallas import tpu as pltpu
from jax.experimental.pallas import tpu_sc as plsc

B, L, D = 4, 2048, 512
K, C = 8192, 16
CP = 128
TOK = 256
KT = 1024
N_TILES = (B * L) // TOK

NC, NS = 2, 16
NW = NC * NS
CAND = 2 * B * L
CAND_W = CAND // NW
GCHUNK = 128



def _scan_body(x_ref, w_ref, cbt_ref, t_ref, i1_ref, i2_ref):
    x = x_ref[...]
    w = w_ref[...]
    cbt = cbt_ref[...]
    t = lax.dot_general(x, w, (((1,), (1,)), ((), ())),
                        preferred_element_type=jnp.float32)
    t_ref[...] = t
    c2 = jnp.sum(cbt * cbt, axis=0)
    t2 = t + t
    ii0 = lax.broadcasted_iota(jnp.int32, (TOK, KT), 1)

    inf = jnp.float32(jnp.inf)
    m1g = jnp.full((TOK,), inf, jnp.float32)
    i1g = jnp.zeros((TOK,), jnp.int32)
    m2g = jnp.full((TOK,), inf, jnp.float32)
    i2g = jnp.zeros((TOK,), jnp.int32)
    for j in range(K // KT):
        cbj = cbt[:, j * KT:(j + 1) * KT]
        s2 = lax.dot_general(t2, cbj, (((1,), (0,)), ((), ())),
                            precision=lax.Precision.HIGHEST,
                            preferred_element_type=jnp.float32)
        v = c2[j * KT:(j + 1) * KT][None, :] - s2
        m1 = jnp.min(v, axis=1)
        i1 = jnp.min(jnp.where(v == m1[:, None], ii0, jnp.int32(K)), axis=1)
        vm = jnp.where(ii0 == i1[:, None], inf, v)
        m2 = jnp.min(vm, axis=1)
        i2 = jnp.min(jnp.where(vm == m2[:, None], ii0, jnp.int32(K)), axis=1)
        i1 = i1 + (j * KT)
        i2 = i2 + (j * KT)
        for mv, iv in ((m1, i1), (m2, i2)):
            p1 = mv < m1g
            n1v = jnp.where(p1, mv, m1g)
            n1i = jnp.where(p1, iv, i1g)
            rv = jnp.where(p1, m1g, mv)
            ri = jnp.where(p1, i1g, iv)
            p2 = rv < m2g
            m2g = jnp.where(p2, rv, m2g)
            i2g = jnp.where(p2, ri, i2g)
            m1g, i1g = n1v, n1i
    i1_ref[0, 0, :] = i1g
    i2_ref[0, 0, :] = i2g


def _tc_scan(x, w, cbt):
    return pl.pallas_call(
        _scan_body,
        grid=(N_TILES,),
        in_specs=[
            pl.BlockSpec((TOK, D), lambda i: (i, 0)),
            pl.BlockSpec((C, D), lambda i: (0, 0)),
            pl.BlockSpec((C, K), lambda i: (0, 0)),
        ],
        out_specs=[
            pl.BlockSpec((TOK, C), lambda i: (i, 0)),
            pl.BlockSpec((1, 1, TOK), lambda i: (i, 0, 0)),
            pl.BlockSpec((1, 1, TOK), lambda i: (i, 0, 0)),
        ],
        out_shape=[
            jax.ShapeDtypeStruct((B * L, C), jnp.float32),
            jax.ShapeDtypeStruct((N_TILES, 1, TOK), jnp.int32),
            jax.ShapeDtypeStruct((N_TILES, 1, TOK), jnp.int32),
        ],
    )(x, w, cbt)



_GROWS = CAND_W // GCHUNK
_SC_GATHER = None


def _build_sc_gather():
    global _SC_GATHER
    if _SC_GATHER is None:
        mesh = plsc.VectorSubcoreMesh(core_axis_name="c", subcore_axis_name="s",
                                      num_cores=NC, num_subcores=NS)

        @functools.partial(
            pl.kernel,
            out_type=jax.ShapeDtypeStruct((CAND, CP), jnp.float32),
            mesh=mesh,
            scratch_types=[
                pltpu.VMEM((_GROWS, GCHUNK), jnp.int32),
                pltpu.VMEM((CAND_W, CP), jnp.float32),
                pltpu.SemaphoreType.DMA,
            ],
        )
        def _sc_gather(cb_hbm, idx_hbm, out_hbm, idx_v, rows_v, sem):
            wid = lax.axis_index("s") * NC + lax.axis_index("c")
            pltpu.sync_copy(idx_hbm.at[pl.ds(wid * _GROWS, _GROWS)], idx_v)
            for g in range(_GROWS):
                pltpu.async_copy(cb_hbm.at[idx_v.at[g]],
                                 rows_v.at[pl.ds(g * GCHUNK, GCHUNK)], sem).wait()
            pltpu.sync_copy(rows_v, out_hbm.at[pl.ds(wid * CAND_W, CAND_W)])

        _SC_GATHER = _sc_gather
    return _SC_GATHER


def _gather_rows(code_book_padded, idx):
    return _build_sc_gather()(code_book_padded,
                              idx.reshape(CAND // GCHUNK, GCHUNK))



def _sum_sq_tree(sq):
    while len(sq) > 1:
        h = len(sq) // 2
        sq = [sq[i] + sq[i + h] for i in range(h)]
    return sq[0]


def _dist_exact(t, rows):
    sq = []
    for c in range(C):
        dlt = t[:, c:c + 1] - rows[:, c:c + 1]
        sq.append(dlt * dlt)
    return jnp.sqrt(_sum_sq_tree(sq))


def _rerank_body(t_ref, r1_ref, r2_ref, i1_ref, i2_ref, out_ref):
    t = t_ref[...]
    d1 = _dist_exact(t, r1_ref[...])[:, 0]
    d2 = _dist_exact(t, r2_ref[...])[:, 0]
    i1 = i1_ref[0, :]
    i2 = i2_ref[0, :]
    pick2 = (d2 < d1) | ((d2 == d1) & (i2 < i1))
    out_ref[0, :] = jnp.where(pick2, i2, i1)


def _tc_rerank(t, rows1, rows2, i1, i2):
    return pl.pallas_call(
        _rerank_body,
        out_shape=jax.ShapeDtypeStruct((1, B * L), jnp.int32),
    )(t, rows1, rows2, i1[None, :], i2[None, :])



def kernel(input_values, proj_weight, code_book):
    x = input_values.reshape(B * L, D)
    cbp = jnp.pad(code_book, ((0, 0), (0, CP - C)))
    t, i1, i2 = _tc_scan(x, proj_weight, code_book.T)
    i1 = i1.reshape(B * L)
    i2 = i2.reshape(B * L)
    idx = jnp.concatenate([i1, i2])
    rows = _gather_rows(cbp, idx)
    labels = _tc_rerank(t, rows[:B * L], rows[B * L:], i1, i2)
    return labels.reshape(B, L)

# --- scband reference (transcript-rebuilt; emitter-appended) ---
"""Pipeline reference for scband-random-projection-quantizer-51599737094539 (READ-ONLY COPY).

The authoritative reference and input builder live on the scoring server;
editing this copy changes nothing except your own understanding.
"""

import jax, jax.numpy as jnp
import numpy as np

B, L, D = 4, 2048, 512
K, C = 8192, 16


def setup_inputs(seed: int = 0) -> dict:
    key = jax.random.key(seed)
    k1, k2, k3 = jax.random.split(key, 3)
    input_values = jax.random.normal(k1, (B, L, D), dtype=jnp.float32)
    # nn.Linear(D, C, bias=False) weight has shape [C, D]; xavier_uniform init
    limit = float(np.sqrt(6.0 / (D + C)))
    proj_weight = jax.random.uniform(k2, (C, D), dtype=jnp.float32, minval=-limit, maxval=limit)
    code_book = jax.random.normal(k3, (K, C), dtype=jnp.float32)
    return {"input_values": input_values, "proj_weight": proj_weight, "code_book": code_book}


def reference(input_values, proj_weight, code_book):
    # targets = self.random_projection(input_values)  -> [B, L, C]
    targets = jnp.einsum('bld,cd->blc', input_values, proj_weight)
    Bq, Lq, Cq = targets.shape
    Kq = code_book.shape[0]
    flat = targets.reshape(Bq * Lq, 1, Cq)
    # vector_distances = vector_norm(targets.unsqueeze(-2) - code_book, dim=-1); argmin over K.
    # Chunk over tokens purely to bound peak memory of the [tokens, K, C] broadcast;
    # math is identical to the unchunked original.
    chunk = 1024
    labels_chunks = []
    for i in range(0, Bq * Lq, chunk):
        diff = flat[i:i + chunk] - code_book[None, :, :]   # [cs, K, C]
        dist = jnp.linalg.norm(diff, axis=-1)              # [cs, K]
        labels_chunks.append(jnp.argmin(dist, axis=-1))    # [cs]
    labels = jnp.concatenate(labels_chunks, axis=0).reshape(Bq, Lq)
    return labels

if __name__ == "__main__":
    import jax
    _d = setup_inputs()
    print(jax.jit(kernel)(*tuple(_d.values())))

</pallas_src>

<mosaic_0001>
#map = affine_map<(d0, d1) -> (0, 0)>
module attributes {stable_mosaic.version = 14 : i64} {
  func.func @_sc_gather(%arg0: i32, %arg1: i32, %arg2: memref<8192x128xf32, #tpu.memory_space<hbm>>, %arg3: memref<128x128xi32, #tpu.memory_space<hbm>>, %arg4: memref<16384x128xf32, #tpu.memory_space<hbm>>, %arg5: memref<4x128xi32, #tpu.memory_space<vmem>>, %arg6: memref<512x128xf32, #tpu.memory_space<vmem>>, %arg7: memref<!tpu.dma_semaphore, #tpu.memory_space<semaphore_mem>>) attributes {dimension_semantics = [#tpu.dimension_semantics<core_parallel>, #tpu.dimension_semantics<subcore_parallel>], iteration_bounds = array<i64: 2, 16>, scalar_prefetch = 0 : i64, scratch_operands = 3 : i64, tpu.core_type = #tpu.core_type<sc_vector_subcore>, window_params = [{transform_indices = #map}, {transform_indices = #map}, {transform_indices = #map}]} {
    %mul3A = arith.constant 2 : i32
    %mul3A_0 = arith.muli %arg1, %mul3A : i32
    %add3A = arith.addi %mul3A_0, %arg0 : i32
    %mul3A_1 = arith.constant 4 : i32
    %mul3A_2 = arith.muli %add3A, %mul3A_1 : i32
    "tpu.region"() ({
      %run_scoped3A = tpu.sem_alloc : memref<!tpu.dma_semaphore, #tpu.memory_space<semaphore_mem>>
      %dma_start3A_83 = arith.constant 0 : i32
      %dma_start3A_84 = tpu.memref_slice %arg3[%mul3A_2, %dma_start3A_83] : memref<128x128xi32, #tpu.memory_space<hbm>> -> memref<4x128xi32, #tpu.memory_space<hbm>>
      %dma_start3A_85 = arith.constant 0 : i32
      %dma_start3A_86 = tpu.memref_slice %arg3[%mul3A_2, %dma_start3A_85] : memref<128x128xi32, #tpu.memory_space<hbm>> -> memref<4x128xi32, #tpu.memory_space<hbm>>
      tpu.enqueue_dma source(%dma_start3A_86 : memref<4x128xi32, #tpu.memory_space<hbm>>) target(%arg5 : memref<4x128xi32, #tpu.memory_space<vmem>>) target_semaphore(%run_scoped3A : memref<!tpu.dma_semaphore, #tpu.memory_space<semaphore_mem>>)
      %dma_wait3A_87 = arith.constant 0 : i32
      %dma_wait3A_88 = tpu.memref_slice %arg3[%mul3A_2, %dma_wait3A_87] : memref<128x128xi32, #tpu.memory_space<hbm>> -> memref<4x128xi32, #tpu.memory_space<hbm>>
      %dma_wait3A_89 = arith.constant 0 : i32
      %dma_wait3A_90 = tpu.memref_slice %arg3[%mul3A_2, %dma_wait3A_89] : memref<128x128xi32, #tpu.memory_space<hbm>> -> memref<4x128xi32, #tpu.memory_space<hbm>>
      tpu.wait_dma2 semaphore(%run_scoped3A : memref<!tpu.dma_semaphore, #tpu.memory_space<semaphore_mem>>) src(%dma_wait3A_90 : memref<4x128xi32, #tpu.memory_space<hbm>>) dst(%arg5 : memref<4x128xi32, #tpu.memory_space<vmem>>)
      tpu.yield
    }) : () -> ()
    %dma_start3A = arith.constant 0 : i32
    %dma_start3A_3 = arith.constant 0 : i32
    %dma_start3A_4 = arith.constant 0 : i32
    %dma_start3A_5 = tpu.memref_slice %arg6[%dma_start3A_3, %dma_start3A_4] : memref<512x128xf32, #tpu.memory_space<vmem>> -> memref<128x128xf32, #tpu.memory_space<vmem>>
    %dma_start3A_6 = arith.constant 0 : i32
    %dma_start3A_7 = tpu.memref_slice %arg5[%dma_start3A, %dma_start3A_6] : memref<4x128xi32, #tpu.memory_space<vmem>> -> memref<1x128xi32, #tpu.memory_space<vmem>>
    %dma_start3A_8 = tpu.memref_squeeze %dma_start3A_7 : memref<1x128xi32, #tpu.memory_space<vmem>> -> memref<128xi32, #tpu.memory_space<vmem>>
    %dma_start3A_9 = arith.constant 0 : i32
    %dma_start3A_10 = arith.constant 0 : i32
    %dma_start3A_11 = tpu.memref_slice %arg2[%dma_start3A_9, %dma_start3A_10] : memref<8192x128xf32, #tpu.memory_space<hbm>> -> memref<8192x128xf32, #tpu.memory_space<hbm>>
    tpu.enqueue_indirect_dma source(%dma_start3A_11 : memref<8192x128xf32, #tpu.memory_space<hbm>>) target(%dma_start3A_5 : memref<128x128xf32, #tpu.memory_space<vmem>>) offsets(%dma_start3A_8 : memref<128xi32, #tpu.memory_space<vmem>>) semaphore(%arg7 : memref<!tpu.dma_semaphore, #tpu.memory_space<semaphore_mem>>)
    %dma_wait3A = arith.constant 0 : i32
    %dma_wait3A_12 = arith.constant 0 : i32
    %dma_wait3A_13 = arith.constant 0 : i32
    %dma_wait3A_14 = tpu.memref_slice %arg6[%dma_wait3A_12, %dma_wait3A_13] : memref<512x128xf32, #tpu.memory_space<vmem>> -> memref<128x128xf32, #tpu.memory_space<vmem>>
    %dma_wait3A_15 = arith.constant 0 : i32
    %dma_wait3A_16 = tpu.memref_slice %arg5[%dma_wait3A, %dma_wait3A_15] : memref<4x128xi32, #tpu.memory_space<vmem>> -> memref<1x128xi32, #tpu.memory_space<vmem>>
    %dma_wait3A_17 = tpu.memref_squeeze %dma_wait3A_16 : memref<1x128xi32, #tpu.memory_space<vmem>> -> memref<128xi32, #tpu.memory_space<vmem>>
    %dma_wait3A_18 = arith.constant 0 : i32
    %dma_wait3A_19 = arith.constant 0 : i32
    %dma_wait3A_20 = tpu.memref_slice %arg2[%dma_wait3A_18, %dma_wait3A_19] : memref<8192x128xf32, #tpu.memory_space<hbm>> -> memref<8192x128xf32, #tpu.memory_space<hbm>>
    tpu.wait_indirect_dma semaphore(%arg7 : memref<!tpu.dma_semaphore, #tpu.memory_space<semaphore_mem>>) src(%dma_wait3A_20 : memref<8192x128xf32, #tpu.memory_space<hbm>>) dst(%dma_wait3A_14 : memref<128x128xf32, #tpu.memory_space<vmem>>)
    %dma_start3A_21 = arith.constant 1 : i32
    %dma_start3A_22 = arith.constant 128 : i32
    %dma_start3A_23 = arith.constant 0 : i32
    %dma_start3A_24 = tpu.memref_slice %arg6[%dma_start3A_22, %dma_start3A_23] : memref<512x128xf32, #tpu.memory_space<vmem>> -> memref<128x128xf32, #tpu.memory_space<vmem>>
    %dma_start3A_25 = arith.constant 0 : i32
    %dma_start3A_26 = tpu.memref_slice %arg5[%dma_start3A_21, %dma_start3A_25] : memref<4x128xi32, #tpu.memory_space<vmem>> -> memref<1x128xi32, #tpu.memory_space<vmem>>
    %dma_start3A_27 = tpu.memref_squeeze %dma_start3A_26 : memref<1x128xi32, #tpu.memory_space<vmem>> -> memref<128xi32, #tpu.memory_space<vmem>>
    %dma_start3A_28 = arith.constant 0 : i32
    %dma_start3A_29 = arith.constant 0 : i32
    %dma_start3A_30 = tpu.memref_slice %arg2[%dma_start3A_28, %dma_start3A_29] : memref<8192x128xf32, #tpu.memory_space<hbm>> -> memref<8192x128xf32, #tpu.memory_space<hbm>>
    tpu.enqueue_indirect_dma source(%dma_start3A_30 : memref<8192x128xf32, #tpu.memory_space<hbm>>) target(%dma_start3A_24 : memref<128x128xf32, #tpu.memory_space<vmem>>) offsets(%dma_start3A_27 : memref<128xi32, #tpu.memory_space<vmem>>) semaphore(%arg7 : memref<!tpu.dma_semaphore, #tpu.memory_space<semaphore_mem>>)
    %dma_wait3A_31 = arith.constant 1 : i32
    %dma_wait3A_32 = arith.constant 128 : i32
    %dma_wait3A_33 = arith.constant 0 : i32
    %dma_wait3A_34 = tpu.memref_slice %arg6[%dma_wait3A_32, %dma_wait3A_33] : memref<512x128xf32, #tpu.memory_space<vmem>> -> memref<128x128xf32, #tpu.memory_space<vmem>>
    %dma_wait3A_35 = arith.constant 0 : i32
    %dma_wait3A_36 = tpu.memref_slice %arg5[%dma_wait3A_31, %dma_wait3A_35] : memref<4x128xi32, #tpu.memory_space<vmem>> -> memref<1x128xi32, #tpu.memory_space<vmem>>
    %dma_wait3A_37 = tpu.memref_squeeze %dma_wait3A_36 : memref<1x128xi32, #tpu.memory_space<vmem>> -> memref<128xi32, #tpu.memory_space<vmem>>
    %dma_wait3A_38 = arith.constant 0 : i32
    %dma_wait3A_39 = arith.constant 0 : i32
    %dma_wait3A_40 = tpu.memref_slice %arg2[%dma_wait3A_38, %dma_wait3A_39] : memref<8192x128xf32, #tpu.memory_space<hbm>> -> memref<8192x128xf32, #tpu.memory_space<hbm>>
    tpu.wait_indirect_dma semaphore(%arg7 : memref<!tpu.dma_semaphore, #tpu.memory_space<semaphore_mem>>) src(%dma_wait3A_40 : memref<8192x128xf32, #tpu.memory_space<hbm>>) dst(%dma_wait3A_34 : memref<128x128xf32, #tpu.memory_space<vmem>>)
    %dma_start3A_41 = arith.constant 2 : i32
    %dma_start3A_42 = arith.constant 256 : i32
    %dma_start3A_43 = arith.constant 0 : i32
    %dma_start3A_44 = tpu.memref_slice %arg6[%dma_start3A_42, %dma_start3A_43] : memref<512x128xf32, #tpu.memory_space<vmem>> -> memref<128x128xf32, #tpu.memory_space<vmem>>
    %dma_start3A_45 = arith.constant 0 : i32
    %dma_start3A_46 = tpu.memref_slice %arg5[%dma_start3A_41, %dma_start3A_45] : memref<4x128xi32, #tpu.memory_space<vmem>> -> memref<1x128xi32, #tpu.memory_space<vmem>>
    %dma_start3A_47 = tpu.memref_squeeze %dma_start3A_46 : memref<1x128xi32, #tpu.memory_space<vmem>> -> memref<128xi32, #tpu.memory_space<vmem>>
    %dma_start3A_48 = arith.constant 0 : i32
    %dma_start3A_49 = arith.constant 0 : i32
    %dma_start3A_50 = tpu.memref_slice %arg2[%dma_start3A_48, %dma_start3A_49] : memref<8192x128xf32, #tpu.memory_space<hbm>> -> memref<8192x128xf32, #tpu.memory_space<hbm>>
    tpu.enqueue_indirect_dma source(%dma_start3A_50 : memref<8192x128xf32, #tpu.memory_space<hbm>>) target(%dma_start3A_44 : memref<128x128xf32, #tpu.memory_space<vmem>>) offsets(%dma_start3A_47 : memref<128xi32, #tpu.memory_space<vmem>>) semaphore(%arg7 : memref<!tpu.dma_semaphore, #tpu.memory_space<semaphore_mem>>)
    %dma_wait3A_51 = arith.constant 2 : i32
    %dma_wait3A_52 = arith.constant 256 : i32
    %dma_wait3A_53 = arith.constant 0 : i32
    %dma_wait3A_54 = tpu.memref_slice %arg6[%dma_wait3A_52, %dma_wait3A_53] : memref<512x128xf32, #tpu.memory_space<vmem>> -> memref<128x128xf32, #tpu.memory_space<vmem>>
    %dma_wait3A_55 = arith.constant 0 : i32
    %dma_wait3A_56 = tpu.memref_slice %arg5[%dma_wait3A_51, %dma_wait3A_55] : memref<4x128xi32, #tpu.memory_space<vmem>> -> memref<1x128xi32, #tpu.memory_space<vmem>>
    %dma_wait3A_57 = tpu.memref_squeeze %dma_wait3A_56 : memref<1x128xi32, #tpu.memory_space<vmem>> -> memref<128xi32, #tpu.memory_space<vmem>>
    %dma_wait3A_58 = arith.constant 0 : i32
    %dma_wait3A_59 = arith.constant 0 : i32
    %dma_wait3A_60 = tpu.memref_slice %arg2[%dma_wait3A_58, %dma_wait3A_59] : memref<8192x128xf32, #tpu.memory_space<hbm>> -> memref<8192x128xf32, #tpu.memory_space<hbm>>
    tpu.wait_indirect_dma semaphore(%arg7 : memref<!tpu.dma_semaphore, #tpu.memory_space<semaphore_mem>>) src(%dma_wait3A_60 : memref<8192x128xf32, #tpu.memory_space<hbm>>) dst(%dma_wait3A_54 : memref<128x128xf32, #tpu.memory_space<vmem>>)
    %dma_start3A_61 = arith.constant 3 : i32
    %dma_start3A_62 = arith.constant 384 : i32
    %dma_start3A_63 = arith.constant 0 : i32
    %dma_start3A_64 = tpu.memref_slice %arg6[%dma_start3A_62, %dma_start3A_63] : memref<512x128xf32, #tpu.memory_space<vmem>> -> memref<128x128xf32, #tpu.memory_space<vmem>>
    %dma_start3A_65 = arith.constant 0 : i32
    %dma_start3A_66 = tpu.memref_slice %arg5[%dma_start3A_61, %dma_start3A_65] : memref<4x128xi32, #tpu.memory_space<vmem>> -> memref<1x128xi32, #tpu.memory_space<vmem>>
    %dma_start3A_67 = tpu.memref_squeeze %dma_start3A_66 : memref<1x128xi32, #tpu.memory_space<vmem>> -> memref<128xi32, #tpu.memory_space<vmem>>
    %dma_start3A_68 = arith.constant 0 : i32
    %dma_start3A_69 = arith.constant 0 : i32
    %dma_start3A_70 = tpu.memref_slice %arg2[%dma_start3A_68, %dma_start3A_69] : memref<8192x128xf32, #tpu.memory_space<hbm>> -> memref<8192x128xf32, #tpu.memory_space<hbm>>
    tpu.enqueue_indirect_dma source(%dma_start3A_70 : memref<8192x128xf32, #tpu.memory_space<hbm>>) target(%dma_start3A_64 : memref<128x128xf32, #tpu.memory_space<vmem>>) offsets(%dma_start3A_67 : memref<128xi32, #tpu.memory_space<vmem>>) semaphore(%arg7 : memref<!tpu.dma_semaphore, #tpu.memory_space<semaphore_mem>>)
    %dma_wait3A_71 = arith.constant 3 : i32
    %dma_wait3A_72 = arith.constant 384 : i32
    %dma_wait3A_73 = arith.constant 0 : i32
    %dma_wait3A_74 = tpu.memref_slice %arg6[%dma_wait3A_72, %dma_wait3A_73] : memref<512x128xf32, #tpu.memory_space<vmem>> -> memref<128x128xf32, #tpu.memory_space<vmem>>
    %dma_wait3A_75 = arith.constant 0 : i32
    %dma_wait3A_76 = tpu.memref_slice %arg5[%dma_wait3A_71, %dma_wait3A_75] : memref<4x128xi32, #tpu.memory_space<vmem>> -> memref<1x128xi32, #tpu.memory_space<vmem>>
    %dma_wait3A_77 = tpu.memref_squeeze %dma_wait3A_76 : memref<1x128xi32, #tpu.memory_space<vmem>> -> memref<128xi32, #tpu.memory_space<vmem>>
    %dma_wait3A_78 = arith.constant 0 : i32
    %dma_wait3A_79 = arith.constant 0 : i32
    %dma_wait3A_80 = tpu.memref_slice %arg2[%dma_wait3A_78, %dma_wait3A_79] : memref<8192x128xf32, #tpu.memory_space<hbm>> -> memref<8192x128xf32, #tpu.memory_space<hbm>>
    tpu.wait_indirect_dma semaphore(%arg7 : memref<!tpu.dma_semaphore, #tpu.memory_space<semaphore_mem>>) src(%dma_wait3A_80 : memref<8192x128xf32, #tpu.memory_space<hbm>>) dst(%dma_wait3A_74 : memref<128x128xf32, #tpu.memory_space<vmem>>)
    %mul3A_81 = arith.constant 512 : i32
    %mul3A_82 = arith.muli %add3A, %mul3A_81 : i32
    "tpu.region"() ({
      %run_scoped3A = tpu.sem_alloc : memref<!tpu.dma_semaphore, #tpu.memory_space<semaphore_mem>>
      %dma_start3A_83 = arith.constant 0 : i32
      %dma_start3A_84 = tpu.memref_slice %arg4[%mul3A_82, %dma_start3A_83] : memref<16384x128xf32, #tpu.memory_space<hbm>> -> memref<512x128xf32, #tpu.memory_space<hbm>>
      %dma_start3A_85 = arith.constant 0 : i32
      %dma_start3A_86 = tpu.memref_slice %arg4[%mul3A_82, %dma_start3A_85] : memref<16384x128xf32, #tpu.memory_space<hbm>> -> memref<512x128xf32, #tpu.memory_space<hbm>>
      tpu.enqueue_dma source(%arg6 : memref<512x128xf32, #tpu.memory_space<vmem>>) target(%dma_start3A_86 : memref<512x128xf32, #tpu.memory_space<hbm>>) target_semaphore(%run_scoped3A : memref<!tpu.dma_semaphore, #tpu.memory_space<semaphore_mem>>)
      %dma_wait3A_87 = arith.constant 0 : i32
      %dma_wait3A_88 = tpu.memref_slice %arg4[%mul3A_82, %dma_wait3A_87] : memref<16384x128xf32, #tpu.memory_space<hbm>> -> memref<512x128xf32, #tpu.memory_space<hbm>>
      %dma_wait3A_89 = arith.constant 0 : i32
      %dma_wait3A_90 = tpu.memref_slice %arg4[%mul3A_82, %dma_wait3A_89] : memref<16384x128xf32, #tpu.memory_space<hbm>> -> memref<512x128xf32, #tpu.memory_space<hbm>>
      tpu.wait_dma2 semaphore(%run_scoped3A : memref<!tpu.dma_semaphore, #tpu.memory_space<semaphore_mem>>) src(%arg6 : memref<512x128xf32, #tpu.memory_space<vmem>>) dst(%dma_wait3A_90 : memref<512x128xf32, #tpu.memory_space<hbm>>)
      tpu.yield
    }) : () -> ()
    return
  }
}

module attributes {stable_mosaic.version = 14 : i64} {
  func.func @_scan_body(%arg0: i32, %arg1: memref<256x512xf32, #tpu.memory_space<vmem>>, %arg2: memref<16x512xf32, #tpu.memory_space<vmem>>, %arg3: memref<16x8192xf32, #tpu.memory_space<vmem>>, %arg4: memref<256x16xf32, #tpu.memory_space<vmem>>, %arg5: memref<1x1x256xi32, #tpu.memory_space<vmem>>, %arg6: memref<1x1x256xi32, #tpu.memory_space<vmem>>) attributes {dimension_semantics = [#tpu.dimension_semantics<arbitrary>], iteration_bounds = array<i64: 32>, scalar_prefetch = 0 : i64, scratch_operands = 0 : i64, tpu.core_type = #tpu.core_type<tc>, window_params = [{transform_indices = @transform_0, window_bounds = array<i64: 256, 512>}, {pipeline_mode = #tpu.pipeline_mode<synchronous>, transform_indices = @transform_1, window_bounds = array<i64: 16, 512>}, {pipeline_mode = #tpu.pipeline_mode<synchronous>, transform_indices = @transform_2, window_bounds = array<i64: 16, 8192>}, {transform_indices = @transform_3, window_bounds = array<i64: 256, 16>}, {transform_indices = @transform_4, window_bounds = array<i64: 1, 1, 256>}, {transform_indices = @transform_5, window_bounds = array<i64: 1, 1, 256>}]} {
    %get3A = arith.constant 0 : index
    %get3A_0 = arith.constant 0 : index
    %get3A_1 = vector.load %arg1[%get3A, %get3A_0] : memref<256x512xf32, #tpu.memory_space<vmem>>, vector<256x512xf32>
    %get3A_2 = arith.constant 0 : index
    %get3A_3 = arith.constant 0 : index
    %get3A_4 = vector.load %arg2[%get3A_2, %get3A_3] : memref<16x512xf32, #tpu.memory_space<vmem>>, vector<16x512xf32>
    %get3A_5 = arith.constant 0 : index
    %get3A_6 = arith.constant 0 : index
    %get3A_7 = vector.load %arg3[%get3A_5, %get3A_6] : memref<16x8192xf32, #tpu.memory_space<vmem>>, vector<16x8192xf32>
    %dot_general3A = arith.constant dense<0.000000e+00> : vector<256x16xf32>
    %dot_general3A_8 = tpu.matmul %get3A_1, %get3A_4, %dot_general3A {dimension_numbers = #tpu.dot_dimension_numbers<[1], [1], [0], [0], [0, 0, 1, 0], [], []>, transpose_lhs_hint = false} : vector<256x512xf32>, vector<16x512xf32>, vector<256x16xf32> -> vector<256x16xf32>
    %swap3A = arith.constant 0 : index
    %swap3A_9 = arith.constant 0 : index
    %swap3A_10 = vector.load %arg4[%swap3A, %swap3A_9] : memref<256x16xf32, #tpu.memory_space<vmem>>, vector<256x16xf32>
    tpu.vector_store %arg4[%swap3A, %swap3A_9], %dot_general3A_8 {strides = array<i32>} : memref<256x16xf32, #tpu.memory_space<vmem>>, vector<256x16xf32>,
    %mul3A = arith.mulf %get3A_7, %get3A_7 : vector<16x8192xf32>
    %reduce_sum3A = arith.constant dense<0.000000e+00> : vector<8192xf32>
    %reduce_sum3A_11 = vector.multi_reduction <add>, %mul3A, %reduce_sum3A [0] : vector<16x8192xf32> to vector<8192xf32>
    %add3A = arith.addf %dot_general3A_8, %dot_general3A_8 : vector<256x16xf32>
    %iota3A = tpu.iota {dimensions = array<i32: 1>} : vector<256x1024xi32>
    %broadcast_in_dim3A = arith.constant 0x7F800000 : f32
    %broadcast_in_dim3A_12 = vector.broadcast %broadcast_in_dim3A : f32 to vector<256xf32>
    %broadcast_in_dim3A_13 = arith.constant 0 : i32
    %broadcast_in_dim3A_14 = vector.broadcast %broadcast_in_dim3A_13 : i32 to vector<256xi32>
    %broadcast_in_dim3A_15 = arith.constant 0x7F800000 : f32
    %broadcast_in_dim3A_16 = vector.broadcast %broadcast_in_dim3A_15 : f32 to vector<256xf32>
    %broadcast_in_dim3A_17 = arith.constant 0 : i32
    %broadcast_in_dim3A_18 = vector.broadcast %broadcast_in_dim3A_17 : i32 to vector<256xi32>
    %slice3A = vector.extract_strided_slice %get3A_7 {offsets = [0, 0], sizes = [16, 1024], strides = [1, 1]} : vector<16x8192xf32> to vector<16x1024xf32>
    %dot_general3A_19 = arith.constant dense<0.000000e+00> : vector<256x1024xf32>
    %dot_general3A_20 = tpu.matmul %add3A, %slice3A, %dot_general3A_19 {dimension_numbers = #tpu.dot_dimension_numbers<[1], [0], [0], [1], [0, 0, 1, 1], [], []>, precision = #tpu.contract_precision<fp32>, transpose_lhs_hint = false} : vector<256x16xf32>, vector<16x1024xf32>, vector<256x1024xf32> -> vector<256x1024xf32>
    %slice3A_21 = vector.extract_strided_slice %reduce_sum3A_11 {offsets = [0], sizes = [1024], strides = [1]} : vector<8192xf32> to vector<1024xf32>
    %broadcast_in_dim3A_22 = vector.shape_cast %slice3A_21 : vector<1024xf32> to vector<1x1024xf32>
    %sub3A = vector.broadcast %broadcast_in_dim3A_22 : vector<1x1024xf32> to vector<256x1024xf32>
    %sub3A_23 = arith.subf %sub3A, %dot_general3A_20 : vector<256x1024xf32>
    %reduce_min3A = arith.constant dense<0x7F800000> : vector<256xf32>
    %reduce_min3A_24 = vector.multi_reduction <minimumf>, %sub3A_23, %reduce_min3A [1] : vector<256x1024xf32> to vector<256xf32>
    %broadcast_in_dim3A_25 = vector.shape_cast %reduce_min3A_24 : vector<256xf32> to vector<256x1xf32>
    %eq3A = vector.broadcast %broadcast_in_dim3A_25 : vector<256x1xf32> to vector<256x1024xf32>
    %eq3A_26 = arith.cmpf oeq, %sub3A_23, %eq3A : vector<256x1024xf32>
    %jit3A = arith.constant 8192 : i32
    %broadcast_in_dim3A_27 = vector.broadcast %jit3A : i32 to vector<256x1024xi32>
    %select_n3A = arith.select %eq3A_26, %iota3A, %broadcast_in_dim3A_27 : vector<256x1024xi1>, vector<256x1024xi32>
    %reduce_min3A_28 = arith.constant dense<2147483647> : vector<256xi32>
    %reduce_min3A_29 = vector.multi_reduction <minsi>, %select_n3A, %reduce_min3A_28 [1] : vector<256x1024xi32> to vector<256xi32>
    %broadcast_in_dim3A_30 = vector.shape_cast %reduce_min3A_29 : vector<256xi32> to vector<256x1xi32>
    %eq3A_31 = vector.broadcast %broadcast_in_dim3A_30 : vector<256x1xi32> to vector<256x1024xi32>
    %eq3A_32 = arith.cmpi eq, %iota3A, %eq3A_31 : vector<256x1024xi32>
    %jit3A_33 = arith.constant 0x7F800000 : f32
    %broadcast_in_dim3A_34 = vector.broadcast %jit3A_33 : f32 to vector<256x1024xf32>
    %select_n3A_35 = arith.select %eq3A_32, %broadcast_in_dim3A_34, %sub3A_23 : vector<256x1024xi1>, vector<256x1024xf32>
    %reduce_min3A_36 = arith.constant dense<0x7F800000> : vector<256xf32>
    %reduce_min3A_37 = vector.multi_reduction <minimumf>, %select_n3A_35, %reduce_min3A_36 [1] : vector<256x1024xf32> to vector<256xf32>
    %broadcast_in_dim3A_38 = vector.shape_cast %reduce_min3A_37 : vector<256xf32> to vector<256x1xf32>
    %eq3A_39 = vector.broadcast %broadcast_in_dim3A_38 : vector<256x1xf32> to vector<256x1024xf32>
    %eq3A_40 = arith.cmpf oeq, %select_n3A_35, %eq3A_39 : vector<256x1024xf32>
    %jit3A_41 = arith.constant 8192 : i32
    %broadcast_in_dim3A_42 = vector.broadcast %jit3A_41 : i32 to vector<256x1024xi32>
    %select_n3A_43 = arith.select %eq3A_40, %iota3A, %broadcast_in_dim3A_42 : vector<256x1024xi1>, vector<256x1024xi32>
    %reduce_min3A_44 = arith.constant dense<2147483647> : vector<256xi32>
    %reduce_min3A_45 = vector.multi_reduction <minsi>, %select_n3A_43, %reduce_min3A_44 [1] : vector<256x1024xi32> to vector<256xi32>
    %add3A_46 = arith.constant 0 : i32
    %add3A_47 = vector.broadcast %add3A_46 : i32 to vector<256xi32>
    %add3A_48 = arith.addi %reduce_min3A_29, %add3A_47 : vector<256xi32>
    %add3A_49 = arith.constant 0 : i32
    %add3A_50 = vector.broadcast %add3A_49 : i32 to vector<256xi32>
    %add3A_51 = arith.addi %reduce_min3A_45, %add3A_50 : vector<256xi32>
    %lt3A = arith.cmpf olt, %reduce_min3A_24, %broadcast_in_dim3A_12 : vector<256xf32>
    %select_n3A_52 = arith.select %lt3A, %reduce_min3A_24, %broadcast_in_dim3A_12 : vector<256xi1>, vector<256xf32>
    %select_n3A_53 = arith.select %lt3A, %add3A_48, %broadcast_in_dim3A_14 : vector<256xi1>, vector<256xi32>
    %select_n3A_54 = arith.select %lt3A, %broadcast_in_dim3A_12, %reduce_min3A_24 : vector<256xi1>, vector<256xf32>
    %select_n3A_55 = arith.select %lt3A, %broadcast_in_dim3A_14, %add3A_48 : vector<256xi1>, vector<256xi32>
    %lt3A_56 = arith.cmpf olt, %select_n3A_54, %broadcast_in_dim3A_16 : vector<256xf32>
    %select_n3A_57 = arith.select %lt3A_56, %select_n3A_54, %broadcast_in_dim3A_16 : vector<256xi1>, vector<256xf32>
    %select_n3A_58 = arith.select %lt3A_56, %select_n3A_55, %broadcast_in_dim3A_18 : vector<256xi1>, vector<256xi32>
    %lt3A_59 = arith.cmpf olt, %reduce_min3A_37, %select_n3A_52 : vector<256xf32>
    %select_n3A_60 = arith.select %lt3A_59, %reduce_min3A_37, %select_n3A_52 : vector<256xi1>, vector<256xf32>
    %select_n3A_61 = arith.select %lt3A_59, %add3A_51, %select_n3A_53 : vector<256xi1>, vector<256xi32>
    %select_n3A_62 = arith.select %lt3A_59, %select_n3A_52, %reduce_min3A_37 : vector<256xi1>, vector<256xf32>
    %select_n3A_63 = arith.select %lt3A_59, %select_n3A_53, %add3A_51 : vector<256xi1>, vector<256xi32>
    %lt3A_64 = arith.cmpf olt, %select_n3A_62, %select_n3A_57 : vector<256xf32>
    %select_n3A_65 = arith.select %lt3A_64, %select_n3A_62, %select_n3A_57 : vector<256xi1>, vector<256xf32>
    %select_n3A_66 = arith.select %lt3A_64, %select_n3A_63, %select_n3A_58 : vector<256xi1>, vector<256xi32>
    %slice3A_67 = vector.extract_strided_slice %get3A_7 {offsets = [0, 1024], sizes = [16, 1024], strides = [1, 1]} : vector<16x8192xf32> to vector<16x1024xf32>
    %dot_general3A_68 = arith.constant dense<0.000000e+00> : vector<256x1024xf32>
    %dot_general3A_69 = tpu.matmul %add3A, %slice3A_67, %dot_general3A_68 {dimension_numbers = #tpu.dot_dimension_numbers<[1], [0], [0], [1], [0, 0, 1, 1], [], []>, precision = #tpu.contract_precision<fp32>, transpose_lhs_hint = false} : vector<256x16xf32>, vector<16x1024xf32>, vector<256x1024xf32> -> vector<256x1024xf32>
    %slice3A_70 = vector.extract_strided_slice %reduce_sum3A_11 {offsets = [1024], sizes = [1024], strides = [1]} : vector<8192xf32> to vector<1024xf32>
    %broadcast_in_dim3A_71 = vector.shape_cast %slice3A_70 : vector<1024xf32> to vector<1x1024xf32>
    %sub3A_72 = vector.broadcast %broadcast_in_dim3A_71 : vector<1x1024xf32> to vector<256x1024xf32>
    %sub3A_73 = arith.subf %sub3A_72, %dot_general3A_69 : vector<256x1024xf32>
    %reduce_min3A_74 = arith.constant dense<0x7F800000> : vector<256xf32>
    %reduce_min3A_75 = vector.multi_reduction <minimumf>, %sub3A_73, %reduce_min3A_74 [1] : vector<256x1024xf32> to vector<256xf32>
    %broadcast_in_dim3A_76 = vector.shape_cast %reduce_min3A_75 : vector<256xf32> to vector<256x1xf32>
    %eq3A_77 = vector.broadcast %broadcast_in_dim3A_76 : vector<256x1xf32> to vector<256x1024xf32>
    %eq3A_78 = arith.cmpf oeq, %sub3A_73, %eq3A_77 : vector<256x1024xf32>
    %jit3A_79 = arith.constant 8192 : i32
    %broadcast_in_dim3A_80 = vector.broadcast %jit3A_79 : i32 to vector<256x1024xi32>
    %select_n3A_81 = arith.select %eq3A_78, %iota3A, %broadcast_in_dim3A_80 : vector<256x1024xi1>, vector<256x1024xi32>
    %reduce_min3A_82 = arith.constant dense<2147483647> : vector<256xi32>
    %reduce_min3A_83 = vector.multi_reduction <minsi>, %select_n3A_81, %reduce_min3A_82 [1] : vector<256x1024xi32> to vector<256xi32>
    %broadcast_in_dim3A_84 = vector.shape_cast %reduce_min3A_83 : vector<256xi32> to vector<256x1xi32>
    %eq3A_85 = vector.broadcast %broadcast_in_dim3A_84 : vector<256x1xi32> to vector<256x1024xi32>
    %eq3A_86 = arith.cmpi eq, %iota3A, %eq3A_85 : vector<256x1024xi32>
    %jit3A_87 = arith.constant 0x7F800000 : f32
    %broadcast_in_dim3A_88 = vector.broadcast %jit3A_87 : f32 to vector<256x1024xf32>
    %select_n3A_89 = arith.select %eq3A_86, %broadcast_in_dim3A_88, %sub3A_73 : vector<256x1024xi1>, vector<256x1024xf32>
    %reduce_min3A_90 = arith.constant dense<0x7F800000> : vector<256xf32>
    %reduce_min3A_91 = vector.multi_reduction <minimumf>, %select_n3A_89, %reduce_min3A_90 [1] : vector<256x1024xf32> to vector<256xf32>
    %broadcast_in_dim3A_92 = vector.shape_cast %reduce_min3A_91 : vector<256xf32> to vector<256x1xf32>
    %eq3A_93 = vector.broadcast %broadcast_in_dim3A_92 : vector<256x1xf32> to vector<256x1024xf32>
    %eq3A_94 = arith.cmpf oeq, %select_n3A_89, %eq3A_93 : vector<256x1024xf32>
    %jit3A_95 = arith.constant 8192 : i32
    %broadcast_in_dim3A_96 = vector.broadcast %jit3A_95 : i32 to vector<256x1024xi32>
    %select_n3A_97 = arith.select %eq3A_94, %iota3A, %broadcast_in_dim3A_96 : vector<256x1024xi1>, vector<256x1024xi32>
    %reduce_min3A_98 = arith.constant dense<2147483647> : vector<256xi32>
    %reduce_min3A_99 = vector.multi_reduction <minsi>, %select_n3A_97, %reduce_min3A_98 [1] : vector<256x1024xi32> to vector<256xi32>
    %add3A_100 = arith.constant 1024 : i32
    %add3A_101 = vector.broadcast %add3A_100 : i32 to vector<256xi32>
    %add3A_102 = arith.addi %reduce_min3A_83, %add3A_101 : vector<256xi32>
    %add3A_103 = arith.constant 1024 : i32
    %add3A_104 = vector.broadcast %add3A_103 : i32 to vector<256xi32>
    %add3A_105 = arith.addi %reduce_min3A_99, %add3A_104 : vector<256xi32>
    %lt3A_106 = arith.cmpf olt, %reduce_min3A_75, %select_n3A_60 : vector<256xf32>
    %select_n3A_107 = arith.select %lt3A_106, %reduce_min3A_75, %select_n3A_60 : vector<256xi1>, vector<256xf32>
    %select_n3A_108 = arith.select %lt3A_106, %add3A_102, %select_n3A_61 : vector<256xi1>, vector<256xi32>
    %select_n3A_109 = arith.select %lt3A_106, %select_n3A_60, %reduce_min3A_75 : vector<256xi1>, vector<256xf32>
    %select_n3A_110 = arith.select %lt3A_106, %select_n3A_61, %add3A_102 : vector<256xi1>, vector<256xi32>
    %lt3A_111 = arith.cmpf olt, %select_n3A_109, %select_n3A_65 : vector<256xf32>
    %select_n3A_112 = arith.select %lt3A_111, %select_n3A_109, %select_n3A_65 : vector<256xi1>, vector<256xf32>
    %select_n3A_113 = arith.select %lt3A_111, %select_n3A_110, %select_n3A_66 : vector<256xi1>, vector<256xi32>
    %lt3A_114 = arith.cmpf olt, %reduce_min3A_91, %select_n3A_107 : vector<256xf32>
    %select_n3A_115 = arith.select %lt3A_114, %reduce_min3A_91, %select_n3A_107 : vector<256xi1>, vector<256xf32>
    %select_n3A_116 = arith.select %lt3A_114, %add3A_105, %select_n3A_108 : vector<256xi1>, vector<256xi32>
    %select_n3A_117 = arith.select %lt3A_114, %select_n3A_107, %reduce_min3A_91 : vector<256xi1>, vector<256xf32>
    %select_n3A_118 = arith.select %lt3A_114, %select_n3A_108, %add3A_105 : vector<256xi1>, vector<256xi32>
    %lt3A_119 = arith.cmpf olt, %select_n3A_117, %select_n3A_112 : vector<256xf32>
    %select_n3A_120 = arith.select %lt3A_119, %select_n3A_117, %select_n3A_112 : vector<256xi1>, vector<256xf32>
    %select_n3A_121 = arith.select %lt3A_119, %select_n3A_118, %select_n3A_113 : vector<256xi1>, vector<256xi32>
    %slice3A_122 = vector.extract_strided_slice %get3A_7 {offsets = [0, 2048], sizes = [16, 1024], strides = [1, 1]} : vector<16x8192xf32> to vector<16x1024xf32>
    %dot_general3A_123 = arith.constant dense<0.000000e+00> : vector<256x1024xf32>
    %dot_general3A_124 = tpu.matmul %add3A, %slice3A_122, %dot_general3A_123 {dimension_numbers = #tpu.dot_dimension_numbers<[1], [0], [0], [1], [0, 0, 1, 1], [], []>, precision = #tpu.contract_precision<fp32>, transpose_lhs_hint = false} : vector<256x16xf32>, vector<16x1024xf32>, vector<256x1024xf32> -> vector<256x1024xf32>
    %slice3A_125 = vector.extract_strided_slice %reduce_sum3A_11 {offsets = [2048], sizes = [1024], strides = [1]} : vector<8192xf32> to vector<1024xf32>
    %broadcast_in_dim3A_126 = vector.shape_cast %slice3A_125 : vector<1024xf32> to vector<1x1024xf32>
    %sub3A_127 = vector.broadcast %broadcast_in_dim3A_126 : vector<1x1024xf32> to vector<256x1024xf32>
    %sub3A_128 = arith.subf %sub3A_127, %dot_general3A_124 : vector<256x1024xf32>
    %reduce_min3A_129 = arith.constant dense<0x7F800000> : vector<256xf32>
    %reduce_min3A_130 = vector.multi_reduction <minimumf>, %sub3A_128, %reduce_min3A_129 [1] : vector<256x1024xf32> to vector<256xf32>
    %broadcast_in_dim3A_131 = vector.shape_cast %reduce_min3A_130 : vector<256xf32> to vector<256x1xf32>
    %eq3A_132 = vector.broadcast %broadcast_in_dim3A_131 : vector<256x1xf32> to vector<256x1024xf32>
    %eq3A_133 = arith.cmpf oeq, %sub3A_128, %eq3A_132 : vector<256x1024xf32>
    %jit3A_134 = arith.constant 8192 : i32
    %broadcast_in_dim3A_135 = vector.broadcast %jit3A_134 : i32 to vector<256x1024xi32>
    %select_n3A_136 = arith.select %eq3A_133, %iota3A, %broadcast_in_dim3A_135 : vector<256x1024xi1>, vector<256x1024xi32>
    %reduce_min3A_137 = arith.constant dense<2147483647> : vector<256xi32>
    %reduce_min3A_138 = vector.multi_reduction <minsi>, %select_n3A_136, %reduce_min3A_137 [1] : vector<256x1024xi32> to vector<256xi32>
    %broadcast_in_dim3A_139 = vector.shape_cast %reduce_min3A_138 : vector<256xi32> to vector<256x1xi32>
    %eq3A_140 = vector.broadcast %broadcast_in_dim3A_139 : vector<256x1xi32> to vector<256x1024xi32>
    %eq3A_141 = arith.cmpi eq, %iota3A, %eq3A_140 : vector<256x1024xi32>
    %jit3A_142 = arith.constant 0x7F800000 : f32
    %broadcast_in_dim3A_143 = vector.broadcast %jit3A_142 : f32 to vector<256x1024xf32>
    %select_n3A_144 = arith.select %eq3A_141, %broadcast_in_dim3A_143, %sub3A_128 : vector<256x1024xi1>, vector<256x1024xf32>
    %reduce_min3A_145 = arith.constant dense<0x7F800000> : vector<256xf32>
    %reduce_min3A_146 = vector.multi_reduction <minimumf>, %select_n3A_144, %reduce_min3A_145 [1] : vector<256x1024xf32> to vector<256xf32>
    %broadcast_in_dim3A_147 = vector.shape_cast %reduce_min3A_146 : vector<256xf32> to vector<256x1xf32>
    %eq3A_148 = vector.broadcast %broadcast_in_dim3A_147 : vector<256x1xf32> to vector<256x1024xf32>
    %eq3A_149 = arith.cmpf oeq, %select_n3A_144, %eq3A_148 : vector<256x1024xf32>
    %jit3A_150 = arith.constant 8192 : i32
    %broadcast_in_dim3A_151 = vector.broadcast %jit3A_150 : i32 to vector<256x1024xi32>
    %select_n3A_152 = arith.select %eq3A_149, %iota3A, %broadcast_in_dim3A_151 : vector<256x1024xi1>, vector<256x1024xi32>
    %reduce_min3A_153 = arith.constant dense<2147483647> : vector<256xi32>
    %reduce_min3A_154 = vector.multi_reduction <minsi>, %select_n3A_152, %reduce_min3A_153 [1] : vector<256x1024xi32> to vector<256xi32>
    %add3A_155 = arith.constant 2048 : i32
    %add3A_156 = vector.broadcast %add3A_155 : i32 to vector<256xi32>
    %add3A_157 = arith.addi %reduce_min3A_138, %add3A_156 : vector<256xi32>
    %add3A_158 = arith.constant 2048 : i32
    %add3A_159 = vector.broadcast %add3A_158 : i32 to vector<256xi32>
    %add3A_160 = arith.addi %reduce_min3A_154, %add3A_159 : vector<256xi32>
    %lt3A_161 = arith.cmpf olt, %reduce_min3A_130, %select_n3A_115 : vector<256xf32>
    %select_n3A_162 = arith.select %lt3A_161, %reduce_min3A_130, %select_n3A_115 : vector<256xi1>, vector<256xf32>
    %select_n3A_163 = arith.select %lt3A_161, %add3A_157, %select_n3A_116 : vector<256xi1>, vector<256xi32>
    %select_n3A_164 = arith.select %lt3A_161, %select_n3A_115, %reduce_min3A_130 : vector<256xi1>, vector<256xf32>
    %select_n3A_165 = arith.select %lt3A_161, %select_n3A_116, %add3A_157 : vector<256xi1>, vector<256xi32>
    %lt3A_166 = arith.cmpf olt, %select_n3A_164, %select_n3A_120 : vector<256xf32>
    %select_n3A_167 = arith.select %lt3A_166, %select_n3A_164, %select_n3A_120 : vector<256xi1>, vector<256xf32>
    %select_n3A_168 = arith.select %lt3A_166, %select_n3A_165, %select_n3A_121 : vector<256xi1>, vector<256xi32>
    %lt3A_169 = arith.cmpf olt, %reduce_min3A_146, %select_n3A_162 : vector<256xf32>
    %select_n3A_170 = arith.select %lt3A_169, %reduce_min3A_146, %select_n3A_162 : vector<256xi1>, vector<256xf32>
    %select_n3A_171 = arith.select %lt3A_169, %add3A_160, %select_n3A_163 : vector<256xi1>, vector<256xi32>
    %select_n3A_172 = arith.select %lt3A_169, %select_n3A_162, %reduce_min3A_146 : vector<256xi1>, vector<256xf32>
    %select_n3A_173 = arith.select %lt3A_169, %select_n3A_163, %add3A_160 : vector<256xi1>, vector<256xi32>
    %lt3A_174 = arith.cmpf olt, %select_n3A_172, %select_n3A_167 : vector<256xf32>
    %select_n3A_175 = arith.select %lt3A_174, %select_n3A_172, %select_n3A_167 : vector<256xi1>, vector<256xf32>
    %select_n3A_176 = arith.select %lt3A_174, %select_n3A_173, %select_n3A_168 : vector<256xi1>, vector<256xi32>
    %slice3A_177 = vector.extract_strided_slice %get3A_7 {offsets = [0, 3072], sizes = [16, 1024], strides = [1, 1]} : vector<16x8192xf32> to vector<16x1024xf32>
    %dot_general3A_178 = arith.constant dense<0.000000e+00> : vector<256x1024xf32>
    %dot_general3A_179 = tpu.matmul %add3A, %slice3A_177, %dot_general3A_178 {dimension_numbers = #tpu.dot_dimension_numbers<[1], [0], [0], [1], [0, 0, 1, 1], [], []>, precision = #tpu.contract_precision<fp32>, transpose_lhs_hint = false} : vector<256x16xf32>, vector<16x1024xf32>, vector<256x1024xf32> -> vector<256x1024xf32>
    %slice3A_180 = vector.extract_strided_slice %reduce_sum3A_11 {offsets = [3072], sizes = [1024], strides = [1]} : vector<8192xf32> to vector<1024xf32>
    %broadcast_in_dim3A_181 = vector.shape_cast %slice3A_180 : vector<1024xf32> to vector<1x1024xf32>
    %sub3A_182 = vector.broadcast %broadcast_in_dim3A_181 : vector<1x1024xf32> to vector<256x1024xf32>
    %sub3A_183 = arith.subf %sub3A_182, %dot_general3A_179 : vector<256x1024xf32>
    %reduce_min3A_184 = arith.constant dense<0x7F800000> : vector<256xf32>
    %reduce_min3A_185 = vector.multi_reduction <minimumf>, %sub3A_183, %reduce_min3A_184 [1] : vector<256x1024xf32> to vector<256xf32>
    %broadcast_in_dim3A_186 = vector.shape_cast %reduce_min3A_185 : vector<256xf32> to vector<256x1xf32>
    %eq3A_187 = vector.broadcast %broadcast_in_dim3A_186 : vector<256x1xf32> to vector<256x1024xf32>
    %eq3A_188 = arith.cmpf oeq, %sub3A_183, %eq3A_187 : vector<256x1024xf32>
    %jit3A_189 = arith.constant 8192 : i32
    %broadcast_in_dim3A_190 = vector.broadcast %jit3A_189 : i32 to vector<256x1024xi32>
    %select_n3A_191 = arith.select %eq3A_188, %iota3A, %broadcast_in_dim3A_190 : vector<256x1024xi1>, vector<256x1024xi32>
    %reduce_min3A_192 = arith.constant dense<2147483647> : vector<256xi32>
    %reduce_min3A_193 = vector.multi_reduction <minsi>, %select_n3A_191, %reduce_min3A_192 [1] : vector<256x1024xi32> to vector<256xi32>
    %broadcast_in_dim3A_194 = vector.shape_cast %reduce_min3A_193 : vector<256xi32> to vector<256x1xi32>
    %eq3A_195 = vector.broadcast %broadcast_in_dim3A_194 : vector<256x1xi32> to vector<256x1024xi32>
    %eq3A_196 = arith.cmpi eq, %iota3A, %eq3A_195 : vector<256x1024xi32>
    %jit3A_197 = arith.constant 0x7F800000 : f32
    %broadcast_in_dim3A_198 = vector.broadcast %jit3A_197 : f32 to vector<256x1024xf32>
    %select_n3A_199 = arith.select %eq3A_196, %broadcast_in_dim3A_198, %sub3A_183 : vector<256x1024xi1>, vector<256x1024xf32>
    %reduce_min3A_200 = arith.constant dense<0x7F800000> : vector<256xf32>
    %reduce_min3A_201 = vector.multi_reduction <minimumf>, %select_n3A_199, %reduce_min3A_200 [1] : vector<256x1024xf32> to vector<256xf32>
    %broadcast_in_dim3A_202 = vector.shape_cast %reduce_min3A_201 : vector<256xf32> to vector<256x1xf32>
    %eq3A_203 = vector.broadcast %broadcast_in_dim3A_202 : vector<256x1xf32> to vector<256x1024xf32>
    %eq3A_204 = arith.cmpf oeq, %select_n3A_199, %eq3A_203 : vector<256x1024xf32>
    %jit3A_205 = arith.constant 8192 : i32
    %broadcast_in_dim3A_206 = vector.broadcast %jit3A_205 : i32 to vector<256x1024xi32>
    %select_n3A_207 = arith.select %eq3A_204, %iota3A, %broadcast_in_dim3A_206 : vector<256x1024xi1>, vector<256x1024xi32>
    %reduce_min3A_208 = arith.constant dense<2147483647> : vector<256xi32>
    %reduce_min3A_209 = vector.multi_reduction <minsi>, %select_n3A_207, %reduce_min3A_208 [1] : vector<256x1024xi32> to vector<256xi32>
    %add3A_210 = arith.constant 3072 : i32
    %add3A_211 = vector.broadcast %add3A_210 : i32 to vector<256xi32>
    %add3A_212 = arith.addi %reduce_min3A_193, %add3A_211 : vector<256xi32>
    %add3A_213 = arith.constant 3072 : i32
    %add3A_214 = vector.broadcast %add3A_213 : i32 to vector<256xi32>
    %add3A_215 = arith.addi %reduce_min3A_209, %add3A_214 : vector<256xi32>
    %lt3A_216 = arith.cmpf olt, %reduce_min3A_185, %select_n3A_170 : vector<256xf32>
    %select_n3A_217 = arith.select %lt3A_216, %reduce_min3A_185, %select_n3A_170 : vector<256xi1>, vector<256xf32>
    %select_n3A_218 = arith.select %lt3A_216, %add3A_212, %select_n3A_171 : vector<256xi1>, vector<256xi32>
    %select_n3A_219 = arith.select %lt3A_216, %select_n3A_170, %reduce_min3A_185 : vector<256xi1>, vector<256xf32>
    %select_n3A_220 = arith.select %lt3A_216, %select_n3A_171, %add3A_212 : vector<256xi1>, vector<256xi32>
    %lt3A_221 = arith.cmpf olt, %select_n3A_219, %select_n3A_175 : vector<256xf32>
    %select_n3A_222 = arith.select %lt3A_221, %select_n3A_219, %select_n3A_175 : vector<256xi1>, vector<256xf32>
    %select_n3A_223 = arith.select %lt3A_221, %select_n3A_220, %select_n3A_176 : vector<256xi1>, vector<256xi32>
    %lt3A_224 = arith.cmpf olt, %reduce_min3A_201, %select_n3A_217 : vector<256xf32>
    %select_n3A_225 = arith.select %lt3A_224, %reduce_min3A_201, %select_n3A_217 : vector<256xi1>, vector<256xf32>
    %select_n3A_226 = arith.select %lt3A_224, %add3A_215, %select_n3A_218 : vector<256xi1>, vector<256xi32>
    %select_n3A_227 = arith.select %lt3A_224, %select_n3A_217, %reduce_min3A_201 : vector<256xi1>, vector<256xf32>
    %select_n3A_228 = arith.select %lt3A_224, %select_n3A_218, %add3A_215 : vector<256xi1>, vector<256xi32>
    %lt3A_229 = arith.cmpf olt, %select_n3A_227, %select_n3A_222 : vector<256xf32>
    %select_n3A_230 = arith.select %lt3A_229, %select_n3A_227, %select_n3A_222 : vector<256xi1>, vector<256xf32>
    %select_n3A_231 = arith.select %lt3A_229, %select_n3A_228, %select_n3A_223 : vector<256xi1>, vector<256xi32>
    %slice3A_232 = vector.extract_strided_slice %get3A_7 {offsets = [0, 4096], sizes = [16, 1024], strides = [1, 1]} : vector<16x8192xf32> to vector<16x1024xf32>
    %dot_general3A_233 = arith.constant dense<0.000000e+00> : vector<256x1024xf32>
    %dot_general3A_234 = tpu.matmul %add3A, %slice3A_232, %dot_general3A_233 {dimension_numbers = #tpu.dot_dimension_numbers<[1], [0], [0], [1], [0, 0, 1, 1], [], []>, precision = #tpu.contract_precision<fp32>, transpose_lhs_hint = false} : vector<256x16xf32>, vector<16x1024xf32>, vector<256x1024xf32> -> vector<256x1024xf32>
    %slice3A_235 = vector.extract_strided_slice %reduce_sum3A_11 {offsets = [4096], sizes = [1024], strides = [1]} : vector<8192xf32> to vector<1024xf32>
    %broadcast_in_dim3A_236 = vector.shape_cast %slice3A_235 : vector<1024xf32> to vector<1x1024xf32>
    %sub3A_237 = vector.broadcast %broadcast_in_dim3A_236 : vector<1x1024xf32> to vector<256x1024xf32>
    %sub3A_238 = arith.subf %sub3A_237, %dot_general3A_234 : vector<256x1024xf32>
    %reduce_min3A_239 = arith.constant dense<0x7F800000> : vector<256xf32>
    %reduce_min3A_240 = vector.multi_reduction <minimumf>, %sub3A_238, %reduce_min3A_239 [1] : vector<256x1024xf32> to vector<256xf32>
    %broadcast_in_dim3A_241 = vector.shape_cast %reduce_min3A_240 : vector<256xf32> to vector<256x1xf32>
    %eq3A_242 = vector.broadcast %broadcast_in_dim3A_241 : vector<256x1xf32> to vector<256x1024xf32>
    %eq3A_243 = arith.cmpf oeq, %sub3A_238, %eq3A_242 : vector<256x1024xf32>
    %jit3A_244 = arith.constant 8192 : i32
    %broadcast_in_dim3A_245 = vector.broadcast %jit3A_244 : i32 to vector<256x1024xi32>
    %select_n3A_246 = arith.select %eq3A_243, %iota3A, %broadcast_in_dim3A_245 : vector<256x1024xi1>, vector<256x1024xi32>
    %reduce_min3A_247 = arith.constant dense<2147483647> : vector<256xi32>
    %reduce_min3A_248 = vector.multi_reduction <minsi>, %select_n3A_246, %reduce_min3A_247 [1] : vector<256x1024xi32> to vector<256xi32>
    %broadcast_in_dim3A_249 = vector.shape_cast %reduce_min3A_248 : vector<256xi32> to vector<256x1xi32>
    %eq3A_250 = vector.broadcast %broadcast_in_dim3A_249 : vector<256x1xi32> to vector<256x1024xi32>
    %eq3A_251 = arith.cmpi eq, %iota3A, %eq3A_250 : vector<256x1024xi32>
    %jit3A_252 = arith.constant 0x7F800000 : f32
    %broadcast_in_dim3A_253 = vector.broadcast %jit3A_252 : f32 to vector<256x1024xf32>
    %select_n3A_254 = arith.select %eq3A_251, %broadcast_in_dim3A_253, %sub3A_238 : vector<256x1024xi1>, vector<256x1024xf32>
    %reduce_min3A_255 = arith.constant dense<0x7F800000> : vector<256xf32>
    %reduce_min3A_256 = vector.multi_reduction <minimumf>, %select_n3A_254, %reduce_min3A_255 [1] : vector<256x1024xf32> to vector<256xf32>
    %broadcast_in_dim3A_257 = vector.shape_cast %reduce_min3A_256 : vector<256xf32> to vector<256x1xf32>
    %eq3A_258 = vector.broadcast %broadcast_in_dim3A_257 : vector<256x1xf32> to vector<256x1024xf32>
    %eq3A_259 = arith.cmpf oeq, %select_n3A_254, %eq3A_258 : vector<256x1024xf32>
    %jit3A_260 = arith.constant 8192 : i32
    %broadcast_in_dim3A_261 = vector.broadcast %jit3A_260 : i32 to vector<256x1024xi32>
    %select_n3A_262 = arith.select %eq3A_259, %iota3A, %broadcast_in_dim3A_261 : vector<256x1024xi1>, vector<256x1024xi32>
    %reduce_min3A_263 = arith.constant dense<2147483647> : vector<256xi32>
    %reduce_min3A_264 = vector.multi_reduction <minsi>, %select_n3A_262, %reduce_min3A_263 [1] : vector<256x1024xi32> to vector<256xi32>
    %add3A_265 = arith.constant 4096 : i32
    %add3A_266 = vector.broadcast %add3A_265 : i32 to vector<256xi32>
    %add3A_267 = arith.addi %reduce_min3A_248, %add3A_266 : vector<256xi32>
    %add3A_268 = arith.constant 4096 : i32
    %add3A_269 = vector.broadcast %add3A_268 : i32 to vector<256xi32>
    %add3A_270 = arith.addi %reduce_min3A_264, %add3A_269 : vector<256xi32>
    %lt3A_271 = arith.cmpf olt, %reduce_min3A_240, %select_n3A_225 : vector<256xf32>
    %select_n3A_272 = arith.select %lt3A_271, %reduce_min3A_240, %select_n3A_225 : vector<256xi1>, vector<256xf32>
    %select_n3A_273 = arith.select %lt3A_271, %add3A_267, %select_n3A_226 : vector<256xi1>, vector<256xi32>
    %select_n3A_274 = arith.select %lt3A_271, %select_n3A_225, %reduce_min3A_240 : vector<256xi1>, vector<256xf32>
    %select_n3A_275 = arith.select %lt3A_271, %select_n3A_226, %add3A_267 : vector<256xi1>, vector<256xi32>
    %lt3A_276 = arith.cmpf olt, %select_n3A_274, %select_n3A_230 : vector<256xf32>
    %select_n3A_277 = arith.select %lt3A_276, %select_n3A_274, %select_n3A_230 : vector<256xi1>, vector<256xf32>
    %select_n3A_278 = arith.select %lt3A_276, %select_n3A_275, %select_n3A_231 : vector<256xi1>, vector<256xi32>
    %lt3A_279 = arith.cmpf olt, %reduce_min3A_256, %select_n3A_272 : vector<256xf32>
    %select_n3A_280 = arith.select %lt3A_279, %reduce_min3A_256, %select_n3A_272 : vector<256xi1>, vector<256xf32>
    %select_n3A_281 = arith.select %lt3A_279, %add3A_270, %select_n3A_273 : vector<256xi1>, vector<256xi32>
    %select_n3A_282 = arith.select %lt3A_279, %select_n3A_272, %reduce_min3A_256 : vector<256xi1>, vector<256xf32>
    %select_n3A_283 = arith.select %lt3A_279, %select_n3A_273, %add3A_270 : vector<256xi1>, vector<256xi32>
    %lt3A_284 = arith.cmpf olt, %select_n3A_282, %select_n3A_277 : vector<256xf32>
    %select_n3A_285 = arith.select %lt3A_284, %select_n3A_282, %select_n3A_277 : vector<256xi1>, vector<256xf32>
    %select_n3A_286 = arith.select %lt3A_284, %select_n3A_283, %select_n3A_278 : vector<256xi1>, vector<256xi32>
    %slice3A_287 = vector.extract_strided_slice %get3A_7 {offsets = [0, 5120], sizes = [16, 1024], strides = [1, 1]} : vector<16x8192xf32> to vector<16x1024xf32>
    %dot_general3A_288 = arith.constant dense<0.000000e+00> : vector<256x1024xf32>
    %dot_general3A_289 = tpu.matmul %add3A, %slice3A_287, %dot_general3A_288 {dimension_numbers = #tpu.dot_dimension_numbers<[1], [0], [0], [1], [0, 0, 1, 1], [], []>, precision = #tpu.contract_precision<fp32>, transpose_lhs_hint = false} : vector<256x16xf32>, vector<16x1024xf32>, vector<256x1024xf32> -> vector<256x1024xf32>
    %slice3A_290 = vector.extract_strided_slice %reduce_sum3A_11 {offsets = [5120], sizes = [1024], strides = [1]} : vector<8192xf32> to vector<1024xf32>
    %broadcast_in_dim3A_291 = vector.shape_cast %slice3A_290 : vector<1024xf32> to vector<1x1024xf32>
    %sub3A_292 = vector.broadcast %broadcast_in_dim3A_291 : vector<1x1024xf32> to vector<256x1024xf32>
    %sub3A_293 = arith.subf %sub3A_292, %dot_general3A_289 : vector<256x1024xf32>
    %reduce_min3A_294 = arith.constant dense<0x7F800000> : vector<256xf32>
    %reduce_min3A_295 = vector.multi_reduction <minimumf>, %sub3A_293, %reduce_min3A_294 [1] : vector<256x1024xf32> to vector<256xf32>
    %broadcast_in_dim3A_296 = vector.shape_cast %reduce_min3A_295 : vector<256xf32> to vector<256x1xf32>
    %eq3A_297 = vector.broadcast %broadcast_in_dim3A_296 : vector<256x1xf32> to vector<256x1024xf32>
    %eq3A_298 = arith.cmpf oeq, %sub3A_293, %eq3A_297 : vector<256x1024xf32>
    %jit3A_299 = arith.constant 8192 : i32
    %broadcast_in_dim3A_300 = vector.broadcast %jit3A_299 : i32 to vector<256x1024xi32>
    %select_n3A_301 = arith.select %eq3A_298, %iota3A, %broadcast_in_dim3A_300 : vector<256x1024xi1>, vector<256x1024xi32>
    %reduce_min3A_302 = arith.constant dense<2147483647> : vector<256xi32>
    %reduce_min3A_303 = vector.multi_reduction <minsi>, %select_n3A_301, %reduce_min3A_302 [1] : vector<256x1024xi32> to vector<256xi32>
    %broadcast_in_dim3A_304 = vector.shape_cast %reduce_min3A_303 : vector<256xi32> to vector<256x1xi32>
    %eq3A_305 = vector.broadcast %broadcast_in_dim3A_304 : vector<256x1xi32> to vector<256x1024xi32>
    %eq3A_306 = arith.cmpi eq, %iota3A, %eq3A_305 : vector<256x1024xi32>
    %jit3A_307 = arith.constant 0x7F800000 : f32
    %broadcast_in_dim3A_308 = vector.broadcast %jit3A_307 : f32 to vector<256x1024xf32>
    %select_n3A_309 = arith.select %eq3A_306, %broadcast_in_dim3A_308, %sub3A_293 : vector<256x1024xi1>, vector<256x1024xf32>
    %reduce_min3A_310 = arith.constant dense<0x7F800000> : vector<256xf32>
    %reduce_min3A_311 = vector.multi_reduction <minimumf>, %select_n3A_309, %reduce_min3A_310 [1] : vector<256x1024xf32> to vector<256xf32>
    %broadcast_in_dim3A_312 = vector.shape_cast %reduce_min3A_311 : vector<256xf32> to vector<256x1xf32>
    %eq3A_313 = vector.broadcast %broadcast_in_dim3A_312 : vector<256x1xf32> to vector<256x1024xf32>
    %eq3A_314 = arith.cmpf oeq, %select_n3A_309, %eq3A_313 : vector<256x1024xf32>
    %jit3A_315 = arith.constant 8192 : i32
    %broadcast_in_dim3A_316 = vector.broadcast %jit3A_315 : i32 to vector<256x1024xi32>
    %select_n3A_317 = arith.select %eq3A_314, %iota3A, %broadcast_in_dim3A_316 : vector<256x1024xi1>, vector<256x1024xi32>
    %reduce_min3A_318 = arith.constant dense<2147483647> : vector<256xi32>
    %reduce_min3A_319 = vector.multi_reduction <minsi>, %select_n3A_317, %reduce_min3A_318 [1] : vector<256x1024xi32> to vector<256xi32>
    %add3A_320 = arith.constant 5120 : i32
    %add3A_321 = vector.broadcast %add3A_320 : i32 to vector<256xi32>
    %add3A_322 = arith.addi %reduce_min3A_303, %add3A_321 : vector<256xi32>
    %add3A_323 = arith.constant 5120 : i32
    %add3A_324 = vector.broadcast %add3A_323 : i32 to vector<256xi32>
    %add3A_325 = arith.addi %reduce_min3A_319, %add3A_324 : vector<256xi32>
    %lt3A_326 = arith.cmpf olt, %reduce_min3A_295, %select_n3A_280 : vector<256xf32>
    %select_n3A_327 = arith.select %lt3A_326, %reduce_min3A_295, %select_n3A_280 : vector<256xi1>, vector<256xf32>
    %select_n3A_328 = arith.select %lt3A_326, %add3A_322, %select_n3A_281 : vector<256xi1>, vector<256xi32>
    %select_n3A_329 = arith.select %lt3A_326, %select_n3A_280, %reduce_min3A_295 : vector<256xi1>, vector<256xf32>
    %select_n3A_330 = arith.select %lt3A_326, %select_n3A_281, %add3A_322 : vector<256xi1>, vector<256xi32>
    %lt3A_331 = arith.cmpf olt, %select_n3A_329, %select_n3A_285 : vector<256xf32>
    %select_n3A_332 = arith.select %lt3A_331, %select_n3A_329, %select_n3A_285 : vector<256xi1>, vector<256xf32>
    %select_n3A_333 = arith.select %lt3A_331, %select_n3A_330, %select_n3A_286 : vector<256xi1>, vector<256xi32>
    %lt3A_334 = arith.cmpf olt, %reduce_min3A_311, %select_n3A_327 : vector<256xf32>
    %select_n3A_335 = arith.select %lt3A_334, %reduce_min3A_311, %select_n3A_327 : vector<256xi1>, vector<256xf32>
    %select_n3A_336 = arith.select %lt3A_334, %add3A_325, %select_n3A_328 : vector<256xi1>, vector<256xi32>
    %select_n3A_337 = arith.select %lt3A_334, %select_n3A_327, %reduce_min3A_311 : vector<256xi1>, vector<256xf32>
    %select_n3A_338 = arith.select %lt3A_334, %select_n3A_328, %add3A_325 : vector<256xi1>, vector<256xi32>
    %lt3A_339 = arith.cmpf olt, %select_n3A_337, %select_n3A_332 : vector<256xf32>
    %select_n3A_340 = arith.select %lt3A_339, %select_n3A_337, %select_n3A_332 : vector<256xi1>, vector<256xf32>
    %select_n3A_341 = arith.select %lt3A_339, %select_n3A_338, %select_n3A_333 : vector<256xi1>, vector<256xi32>
    %slice3A_342 = vector.extract_strided_slice %get3A_7 {offsets = [0, 6144], sizes = [16, 1024], strides = [1, 1]} : vector<16x8192xf32> to vector<16x1024xf32>
    %dot_general3A_343 = arith.constant dense<0.000000e+00> : vector<256x1024xf32>
    %dot_general3A_344 = tpu.matmul %add3A, %slice3A_342, %dot_general3A_343 {dimension_numbers = #tpu.dot_dimension_numbers<[1], [0], [0], [1], [0, 0, 1, 1], [], []>, precision = #tpu.contract_precision<fp32>, transpose_lhs_hint = false} : vector<256x16xf32>, vector<16x1024xf32>, vector<256x1024xf32> -> vector<256x1024xf32>
    %slice3A_345 = vector.extract_strided_slice %reduce_sum3A_11 {offsets = [6144], sizes = [1024], strides = [1]} : vector<8192xf32> to vector<1024xf32>
    %broadcast_in_dim3A_346 = vector.shape_cast %slice3A_345 : vector<1024xf32> to vector<1x1024xf32>
    %sub3A_347 = vector.broadcast %broadcast_in_dim3A_346 : vector<1x1024xf32> to vector<256x1024xf32>
    %sub3A_348 = arith.subf %sub3A_347, %dot_general3A_344 : vector<256x1024xf32>
    %reduce_min3A_349 = arith.constant dense<0x7F800000> : vector<256xf32>
    %reduce_min3A_350 = vector.multi_reduction <minimumf>, %sub3A_348, %reduce_min3A_349 [1] : vector<256x1024xf32> to vector<256xf32>
    %broadcast_in_dim3A_351 = vector.shape_cast %reduce_min3A_350 : vector<256xf32> to vector<256x1xf32>
    %eq3A_352 = vector.broadcast %broadcast_in_dim3A_351 : vector<256x1xf32> to vector<256x1024xf32>
    %eq3A_353 = arith.cmpf oeq, %sub3A_348, %eq3A_352 : vector<256x1024xf32>
    %jit3A_354 = arith.constant 8192 : i32
    %broadcast_in_dim3A_355 = vector.broadcast %jit3A_354 : i32 to vector<256x1024xi32>
    %select_n3A_356 = arith.select %eq3A_353, %iota3A, %broadcast_in_dim3A_355 : vector<256x1024xi1>, vector<256x1024xi32>
    %reduce_min3A_357 = arith.constant dense<2147483647> : vector<256xi32>
    %reduce_min3A_358 = vector.multi_reduction <minsi>, %select_n3A_356, %reduce_min3A_357 [1] : vector<256x1024xi32> to vector<256xi32>
    %broadcast_in_dim3A_359 = vector.shape_cast %reduce_min3A_358 : vector<256xi32> to vector<256x1xi32>
    %eq3A_360 = vector.broadcast %broadcast_in_dim3A_359 : vector<256x1xi32> to vector<256x1024xi32>
    %eq3A_361 = arith.cmpi eq, %iota3A, %eq3A_360 : vector<256x1024xi32>
    %jit3A_362 = arith.constant 0x7F800000 : f32
    %broadcast_in_dim3A_363 = vector.broadcast %jit3A_362 : f32 to vector<256x1024xf32>
    %select_n3A_364 = arith.select %eq3A_361, %broadcast_in_dim3A_363, %sub3A_348 : vector<256x1024xi1>, vector<256x1024xf32>
    %reduce_min3A_365 = arith.constant dense<0x7F800000> : vector<256xf32>
    %reduce_min3A_366 = vector.multi_reduction <minimumf>, %select_n3A_364, %reduce_min3A_365 [1] : vector<256x1024xf32> to vector<256xf32>
    %broadcast_in_dim3A_367 = vector.shape_cast %reduce_min3A_366 : vector<256xf32> to vector<256x1xf32>
    %eq3A_368 = vector.broadcast %broadcast_in_dim3A_367 : vector<256x1xf32> to vector<256x1024xf32>
    %eq3A_369 = arith.cmpf oeq, %select_n3A_364, %eq3A_368 : vector<256x1024xf32>
    %jit3A_370 = arith.constant 8192 : i32
    %broadcast_in_dim3A_371 = vector.broadcast %jit3A_370 : i32 to vector<256x1024xi32>
    %select_n3A_372 = arith.select %eq3A_369, %iota3A, %broadcast_in_dim3A_371 : vector<256x1024xi1>, vector<256x1024xi32>
    %reduce_min3A_373 = arith.constant dense<2147483647> : vector<256xi32>
    %reduce_min3A_374 = vector.multi_reduction <minsi>, %select_n3A_372, %reduce_min3A_373 [1] : vector<256x1024xi32> to vector<256xi32>
    %add3A_375 = arith.constant 6144 : i32
    %add3A_376 = vector.broadcast %add3A_375 : i32 to vector<256xi32>
    %add3A_377 = arith.addi %reduce_min3A_358, %add3A_376 : vector<256xi32>
    %add3A_378 = arith.constant 6144 : i32
    %add3A_379 = vector.broadcast %add3A_378 : i32 to vector<256xi32>
    %add3A_380 = arith.addi %reduce_min3A_374, %add3A_379 : vector<256xi32>
    %lt3A_381 = arith.cmpf olt, %reduce_min3A_350, %select_n3A_335 : vector<256xf32>
    %select_n3A_382 = arith.select %lt3A_381, %reduce_min3A_350, %select_n3A_335 : vector<256xi1>, vector<256xf32>
    %select_n3A_383 = arith.select %lt3A_381, %add3A_377, %select_n3A_336 : vector<256xi1>, vector<256xi32>
    %select_n3A_384 = arith.select %lt3A_381, %select_n3A_335, %reduce_min3A_350 : vector<256xi1>, vector<256xf32>
    %select_n3A_385 = arith.select %lt3A_381, %select_n3A_336, %add3A_377 : vector<256xi1>, vector<256xi32>
    %lt3A_386 = arith.cmpf olt, %select_n3A_384, %select_n3A_340 : vector<256xf32>
    %select_n3A_387 = arith.select %lt3A_386, %select_n3A_384, %select_n3A_340 : vector<256xi1>, vector<256xf32>
    %select_n3A_388 = arith.select %lt3A_386, %select_n3A_385, %select_n3A_341 : vector<256xi1>, vector<256xi32>
    %lt3A_389 = arith.cmpf olt, %reduce_min3A_366, %select_n3A_382 : vector<256xf32>
    %select_n3A_390 = arith.select %lt3A_389, %reduce_min3A_366, %select_n3A_382 : vector<256xi1>, vector<256xf32>
    %select_n3A_391 = arith.select %lt3A_389, %add3A_380, %select_n3A_383 : vector<256xi1>, vector<256xi32>
    %select_n3A_392 = arith.select %lt3A_389, %select_n3A_382, %reduce_min3A_366 : vector<256xi1>, vector<256xf32>
    %select_n3A_393 = arith.select %lt3A_389, %select_n3A_383, %add3A_380 : vector<256xi1>, vector<256xi32>
    %lt3A_394 = arith.cmpf olt, %select_n3A_392, %select_n3A_387 : vector<256xf32>
    %select_n3A_395 = arith.select %lt3A_394, %select_n3A_392, %select_n3A_387 : vector<256xi1>, vector<256xf32>
    %select_n3A_396 = arith.select %lt3A_394, %select_n3A_393, %select_n3A_388 : vector<256xi1>, vector<256xi32>
    %slice3A_397 = vector.extract_strided_slice %get3A_7 {offsets = [0, 7168], sizes = [16, 1024], strides = [1, 1]} : vector<16x8192xf32> to vector<16x1024xf32>
    %dot_general3A_398 = arith.constant dense<0.000000e+00> : vector<256x1024xf32>
    %dot_general3A_399 = tpu.matmul %add3A, %slice3A_397, %dot_general3A_398 {dimension_numbers = #tpu.dot_dimension_numbers<[1], [0], [0], [1], [0, 0, 1, 1], [], []>, precision = #tpu.contract_precision<fp32>, transpose_lhs_hint = false} : vector<256x16xf32>, vector<16x1024xf32>, vector<256x1024xf32> -> vector<256x1024xf32>
    %slice3A_400 = vector.extract_strided_slice %reduce_sum3A_11 {offsets = [7168], sizes = [1024], strides = [1]} : vector<8192xf32> to vector<1024xf32>
    %broadcast_in_dim3A_401 = vector.shape_cast %slice3A_400 : vector<1024xf32> to vector<1x1024xf32>
    %sub3A_402 = vector.broadcast %broadcast_in_dim3A_401 : vector<1x1024xf32> to vector<256x1024xf32>
    %sub3A_403 = arith.subf %sub3A_402, %dot_general3A_399 : vector<256x1024xf32>
    %reduce_min3A_404 = arith.constant dense<0x7F800000> : vector<256xf32>
    %reduce_min3A_405 = vector.multi_reduction <minimumf>, %sub3A_403, %reduce_min3A_404 [1] : vector<256x1024xf32> to vector<256xf32>
    %broadcast_in_dim3A_406 = vector.shape_cast %reduce_min3A_405 : vector<256xf32> to vector<256x1xf32>
    %eq3A_407 = vector.broadcast %broadcast_in_dim3A_406 : vector<256x1xf32> to vector<256x1024xf32>
    %eq3A_408 = arith.cmpf oeq, %sub3A_403, %eq3A_407 : vector<256x1024xf32>
    %jit3A_409 = arith.constant 8192 : i32
    %broadcast_in_dim3A_410 = vector.broadcast %jit3A_409 : i32 to vector<256x1024xi32>
    %select_n3A_411 = arith.select %eq3A_408, %iota3A, %broadcast_in_dim3A_410 : vector<256x1024xi1>, vector<256x1024xi32>
    %reduce_min3A_412 = arith.constant dense<2147483647> : vector<256xi32>
    %reduce_min3A_413 = vector.multi_reduction <minsi>, %select_n3A_411, %reduce_min3A_412 [1] : vector<256x1024xi32> to vector<256xi32>
    %broadcast_in_dim3A_414 = vector.shape_cast %reduce_min3A_413 : vector<256xi32> to vector<256x1xi32>
    %eq3A_415 = vector.broadcast %broadcast_in_dim3A_414 : vector<256x1xi32> to vector<256x1024xi32>
    %eq3A_416 = arith.cmpi eq, %iota3A, %eq3A_415 : vector<256x1024xi32>
    %jit3A_417 = arith.constant 0x7F800000 : f32
    %broadcast_in_dim3A_418 = vector.broadcast %jit3A_417 : f32 to vector<256x1024xf32>
    %select_n3A_419 = arith.select %eq3A_416, %broadcast_in_dim3A_418, %sub3A_403 : vector<256x1024xi1>, vector<256x1024xf32>
    %reduce_min3A_420 = arith.constant dense<0x7F800000> : vector<256xf32>
    %reduce_min3A_421 = vector.multi_reduction <minimumf>, %select_n3A_419, %reduce_min3A_420 [1] : vector<256x1024xf32> to vector<256xf32>
    %broadcast_in_dim3A_422 = vector.shape_cast %reduce_min3A_421 : vector<256xf32> to vector<256x1xf32>
    %eq3A_423 = vector.broadcast %broadcast_in_dim3A_422 : vector<256x1xf32> to vector<256x1024xf32>
    %eq3A_424 = arith.cmpf oeq, %select_n3A_419, %eq3A_423 : vector<256x1024xf32>
    %jit3A_425 = arith.constant 8192 : i32
    %broadcast_in_dim3A_426 = vector.broadcast %jit3A_425 : i32 to vector<256x1024xi32>
    %select_n3A_427 = arith.select %eq3A_424, %iota3A, %broadcast_in_dim3A_426 : vector<256x1024xi1>, vector<256x1024xi32>
    %reduce_min3A_428 = arith.constant dense<2147483647> : vector<256xi32>
    %reduce_min3A_429 = vector.multi_reduction <minsi>, %select_n3A_427, %reduce_min3A_428 [1] : vector<256x1024xi32> to vector<256xi32>
    %add3A_430 = arith.constant 7168 : i32
    %add3A_431 = vector.broadcast %add3A_430 : i32 to vector<256xi32>
    %add3A_432 = arith.addi %reduce_min3A_413, %add3A_431 : vector<256xi32>
    %add3A_433 = arith.constant 7168 : i32
    %add3A_434 = vector.broadcast %add3A_433 : i32 to vector<256xi32>
    %add3A_435 = arith.addi %reduce_min3A_429, %add3A_434 : vector<256xi32>
    %lt3A_436 = arith.cmpf olt, %reduce_min3A_405, %select_n3A_390 : vector<256xf32>
    %select_n3A_437 = arith.select %lt3A_436, %reduce_min3A_405, %select_n3A_390 : vector<256xi1>, vector<256xf32>
    %select_n3A_438 = arith.select %lt3A_436, %add3A_432, %select_n3A_391 : vector<256xi1>, vector<256xi32>
    %select_n3A_439 = arith.select %lt3A_436, %select_n3A_390, %reduce_min3A_405 : vector<256xi1>, vector<256xf32>
    %select_n3A_440 = arith.select %lt3A_436, %select_n3A_391, %add3A_432 : vector<256xi1>, vector<256xi32>
    %lt3A_441 = arith.cmpf olt, %select_n3A_439, %select_n3A_395 : vector<256xf32>
    %select_n3A_442 = arith.select %lt3A_441, %select_n3A_439, %select_n3A_395 : vector<256xi1>, vector<256xf32>
    %select_n3A_443 = arith.select %lt3A_441, %select_n3A_440, %select_n3A_396 : vector<256xi1>, vector<256xi32>
    %lt3A_444 = arith.cmpf olt, %reduce_min3A_421, %select_n3A_437 : vector<256xf32>
    %select_n3A_445 = arith.select %lt3A_444, %add3A_435, %select_n3A_438 : vector<256xi1>, vector<256xi32>
    %select_n3A_446 = arith.select %lt3A_444, %select_n3A_437, %reduce_min3A_421 : vector<256xi1>, vector<256xf32>
    %select_n3A_447 = arith.select %lt3A_444, %select_n3A_438, %add3A_435 : vector<256xi1>, vector<256xi32>
    %lt3A_448 = arith.cmpf olt, %select_n3A_446, %select_n3A_442 : vector<256xf32>
    %select_n3A_449 = arith.select %lt3A_448, %select_n3A_447, %select_n3A_443 : vector<256xi1>, vector<256xi32>
    %swap3A_450 = arith.constant 0 : index
    %swap3A_451 = arith.constant 0 : index
    %swap3A_452 = arith.constant 0 : index
    %swap3A_453 = vector.load %arg5[%swap3A_450, %swap3A_451, %swap3A_452] : memref<1x1x256xi32, #tpu.memory_space<vmem>>, vector<1x1x256xi32>
    %swap3A_454 = vector.shape_cast %swap3A_453 : vector<1x1x256xi32> to vector<256xi32>
    %swap3A_455 = vector.shape_cast %select_n3A_445 : vector<256xi32> to vector<1x1x256xi32>
    tpu.vector_store %arg5[%swap3A_450, %swap3A_451, %swap3A_452], %swap3A_455 {strides = array<i32>} : memref<1x1x256xi32, #tpu.memory_space<vmem>>, vector<1x1x256xi32>,
    %swap3A_456 = arith.constant 0 : index
    %swap3A_457 = arith.constant 0 : index
    %swap3A_458 = arith.constant 0 : index
    %swap3A_459 = vector.load %arg6[%swap3A_456, %swap3A_457, %swap3A_458] : memref<1x1x256xi32, #tpu.memory_space<vmem>>, vector<1x1x256xi32>
    %swap3A_460 = vector.shape_cast %swap3A_459 : vector<1x1x256xi32> to vector<256xi32>
    %swap3A_461 = vector.shape_cast %select_n3A_449 : vector<256xi32> to vector<1x1x256xi32>
    tpu.vector_store %arg6[%swap3A_456, %swap3A_457, %swap3A_458], %swap3A_461 {strides = array<i32>} : memref<1x1x256xi32, #tpu.memory_space<vmem>>, vector<1x1x256xi32>,
    return
  }
  func.func @transform_0(%arg0: i32) -> (i32, i32) {
    %c0_i32 = arith.constant 0 : i32
    %c0_i32_0 = arith.constant 0 : i32
    return %arg0, %c0_i32 : i32, i32
  }
  func.func @transform_1(%arg0: i32) -> (i32, i32) {
    %c0_i32 = arith.constant 0 : i32
    %c0_i32_0 = arith.constant 0 : i32
    %c0_i32_1 = arith.constant 0 : i32
    return %c0_i32, %c0_i32_0 : i32, i32
  }
  func.func @transform_2(%arg0: i32) -> (i32, i32) {
    %c0_i32 = arith.constant 0 : i32
    %c0_i32_0 = arith.constant 0 : i32
    %c0_i32_1 = arith.constant 0 : i32
    return %c0_i32, %c0_i32_0 : i32, i32
  }
  func.func @transform_3(%arg0: i32) -> (i32, i32) {
    %c0_i32 = arith.constant 0 : i32
    %c0_i32_0 = arith.constant 0 : i32
    return %arg0, %c0_i32 : i32, i32
  }
  func.func @transform_4(%arg0: i32) -> (i32, i32, i32) {
    %c0_i32 = arith.constant 0 : i32
    %c0_i32_0 = arith.constant 0 : i32
    %c0_i32_1 = arith.constant 0 : i32
    return %arg0, %c0_i32, %c0_i32_0 : i32, i32, i32
  }
  func.func @transform_5(%arg0: i32) -> (i32, i32, i32) {
    %c0_i32 = arith.constant 0 : i32
    %c0_i32_0 = arith.constant 0 : i32
    %c0_i32_1 = arith.constant 0 : i32
    return %arg0, %c0_i32, %c0_i32_0 : i32, i32, i32
  }
}

module attributes {stable_mosaic.version = 14 : i64} {
  func.func @_rerank_body(%arg0: memref<8192x16xf32, #tpu.memory_space<vmem>>, %arg1: memref<8192x128xf32, #tpu.memory_space<vmem>>, %arg2: memref<8192x128xf32, #tpu.memory_space<vmem>>, %arg3: memref<1x8192xi32, #tpu.memory_space<vmem>>, %arg4: memref<1x8192xi32, #tpu.memory_space<vmem>>, %arg5: memref<1x8192xi32, #tpu.memory_space<vmem>>) attributes {dimension_semantics = [], scalar_prefetch = 0 : i64, scratch_operands = 0 : i64, tpu.core_type = #tpu.core_type<tc>} {
    %get3A = arith.constant 0 : index
    %get3A_0 = arith.constant 0 : index
    %get3A_1 = vector.load %arg0[%get3A, %get3A_0] : memref<8192x16xf32, #tpu.memory_space<vmem>>, vector<8192x16xf32>
    %get3A_2 = arith.constant 0 : index
    %get3A_3 = arith.constant 0 : index
    %get3A_4 = vector.load %arg1[%get3A_2, %get3A_3] : memref<8192x128xf32, #tpu.memory_space<vmem>>, vector<8192x128xf32>
    %slice3A = vector.extract_strided_slice %get3A_1 {offsets = [0, 0], sizes = [8192, 1], strides = [1, 1]} : vector<8192x16xf32> to vector<8192x1xf32>
    %slice3A_5 = vector.extract_strided_slice %get3A_4 {offsets = [0, 0], sizes = [8192, 1], strides = [1, 1]} : vector<8192x128xf32> to vector<8192x1xf32>
    %sub3A = arith.subf %slice3A, %slice3A_5 : vector<8192x1xf32>
    %mul3A = arith.mulf %sub3A, %sub3A : vector<8192x1xf32>
    %slice3A_6 = vector.extract_strided_slice %get3A_1 {offsets = [0, 1], sizes = [8192, 1], strides = [1, 1]} : vector<8192x16xf32> to vector<8192x1xf32>
    %slice3A_7 = vector.extract_strided_slice %get3A_4 {offsets = [0, 1], sizes = [8192, 1], strides = [1, 1]} : vector<8192x128xf32> to vector<8192x1xf32>
    %sub3A_8 = arith.subf %slice3A_6, %slice3A_7 : vector<8192x1xf32>
    %mul3A_9 = arith.mulf %sub3A_8, %sub3A_8 : vector<8192x1xf32>
    %slice3A_10 = vector.extract_strided_slice %get3A_1 {offsets = [0, 2], sizes = [8192, 1], strides = [1, 1]} : vector<8192x16xf32> to vector<8192x1xf32>
    %slice3A_11 = vector.extract_strided_slice %get3A_4 {offsets = [0, 2], sizes = [8192, 1], strides = [1, 1]} : vector<8192x128xf32> to vector<8192x1xf32>
    %sub3A_12 = arith.subf %slice3A_10, %slice3A_11 : vector<8192x1xf32>
    %mul3A_13 = arith.mulf %sub3A_12, %sub3A_12 : vector<8192x1xf32>
    %slice3A_14 = vector.extract_strided_slice %get3A_1 {offsets = [0, 3], sizes = [8192, 1], strides = [1, 1]} : vector<8192x16xf32> to vector<8192x1xf32>
    %slice3A_15 = vector.extract_strided_slice %get3A_4 {offsets = [0, 3], sizes = [8192, 1], strides = [1, 1]} : vector<8192x128xf32> to vector<8192x1xf32>
    %sub3A_16 = arith.subf %slice3A_14, %slice3A_15 : vector<8192x1xf32>
    %mul3A_17 = arith.mulf %sub3A_16, %sub3A_16 : vector<8192x1xf32>
    %slice3A_18 = vector.extract_strided_slice %get3A_1 {offsets = [0, 4], sizes = [8192, 1], strides = [1, 1]} : vector<8192x16xf32> to vector<8192x1xf32>
    %slice3A_19 = vector.extract_strided_slice %get3A_4 {offsets = [0, 4], sizes = [8192, 1], strides = [1, 1]} : vector<8192x128xf32> to vector<8192x1xf32>
    %sub3A_20 = arith.subf %slice3A_18, %slice3A_19 : vector<8192x1xf32>
    %mul3A_21 = arith.mulf %sub3A_20, %sub3A_20 : vector<8192x1xf32>
    %slice3A_22 = vector.extract_strided_slice %get3A_1 {offsets = [0, 5], sizes = [8192, 1], strides = [1, 1]} : vector<8192x16xf32> to vector<8192x1xf32>
    %slice3A_23 = vector.extract_strided_slice %get3A_4 {offsets = [0, 5], sizes = [8192, 1], strides = [1, 1]} : vector<8192x128xf32> to vector<8192x1xf32>
    %sub3A_24 = arith.subf %slice3A_22, %slice3A_23 : vector<8192x1xf32>
    %mul3A_25 = arith.mulf %sub3A_24, %sub3A_24 : vector<8192x1xf32>
    %slice3A_26 = vector.extract_strided_slice %get3A_1 {offsets = [0, 6], sizes = [8192, 1], strides = [1, 1]} : vector<8192x16xf32> to vector<8192x1xf32>
    %slice3A_27 = vector.extract_strided_slice %get3A_4 {offsets = [0, 6], sizes = [8192, 1], strides = [1, 1]} : vector<8192x128xf32> to vector<8192x1xf32>
    %sub3A_28 = arith.subf %slice3A_26, %slice3A_27 : vector<8192x1xf32>
    %mul3A_29 = arith.mulf %sub3A_28, %sub3A_28 : vector<8192x1xf32>
    %slice3A_30 = vector.extract_strided_slice %get3A_1 {offsets = [0, 7], sizes = [8192, 1], strides = [1, 1]} : vector<8192x16xf32> to vector<8192x1xf32>
    %slice3A_31 = vector.extract_strided_slice %get3A_4 {offsets = [0, 7], sizes = [8192, 1], strides = [1, 1]} : vector<8192x128xf32> to vector<8192x1xf32>
    %sub3A_32 = arith.subf %slice3A_30, %slice3A_31 : vector<8192x1xf32>
    %mul3A_33 = arith.mulf %sub3A_32, %sub3A_32 : vector<8192x1xf32>
    %slice3A_34 = vector.extract_strided_slice %get3A_1 {offsets = [0, 8], sizes = [8192, 1], strides = [1, 1]} : vector<8192x16xf32> to vector<8192x1xf32>
    %slice3A_35 = vector.extract_strided_slice %get3A_4 {offsets = [0, 8], sizes = [8192, 1], strides = [1, 1]} : vector<8192x128xf32> to vector<8192x1xf32>
    %sub3A_36 = arith.subf %slice3A_34, %slice3A_35 : vector<8192x1xf32>
    %mul3A_37 = arith.mulf %sub3A_36, %sub3A_36 : vector<8192x1xf32>
    %slice3A_38 = vector.extract_strided_slice %get3A_1 {offsets = [0, 9], sizes = [8192, 1], strides = [1, 1]} : vector<8192x16xf32> to vector<8192x1xf32>
    %slice3A_39 = vector.extract_strided_slice %get3A_4 {offsets = [0, 9], sizes = [8192, 1], strides = [1, 1]} : vector<8192x128xf32> to vector<8192x1xf32>
    %sub3A_40 = arith.subf %slice3A_38, %slice3A_39 : vector<8192x1xf32>
    %mul3A_41 = arith.mulf %sub3A_40, %sub3A_40 : vector<8192x1xf32>
    %slice3A_42 = vector.extract_strided_slice %get3A_1 {offsets = [0, 10], sizes = [8192, 1], strides = [1, 1]} : vector<8192x16xf32> to vector<8192x1xf32>
    %slice3A_43 = vector.extract_strided_slice %get3A_4 {offsets = [0, 10], sizes = [8192, 1], strides = [1, 1]} : vector<8192x128xf32> to vector<8192x1xf32>
    %sub3A_44 = arith.subf %slice3A_42, %slice3A_43 : vector<8192x1xf32>
    %mul3A_45 = arith.mulf %sub3A_44, %sub3A_44 : vector<8192x1xf32>
    %slice3A_46 = vector.extract_strided_slice %get3A_1 {offsets = [0, 11], sizes = [8192, 1], strides = [1, 1]} : vector<8192x16xf32> to vector<8192x1xf32>
    %slice3A_47 = vector.extract_strided_slice %get3A_4 {offsets = [0, 11], sizes = [8192, 1], strides = [1, 1]} : vector<8192x128xf32> to vector<8192x1xf32>
    %sub3A_48 = arith.subf %slice3A_46, %slice3A_47 : vector<8192x1xf32>
    %mul3A_49 = arith.mulf %sub3A_48, %sub3A_48 : vector<8192x1xf32>
    %slice3A_50 = vector.extract_strided_slice %get3A_1 {offsets = [0, 12], sizes = [8192, 1], strides = [1, 1]} : vector<8192x16xf32> to vector<8192x1xf32>
    %slice3A_51 = vector.extract_strided_slice %get3A_4 {offsets = [0, 12], sizes = [8192, 1], strides = [1, 1]} : vector<8192x128xf32> to vector<8192x1xf32>
    %sub3A_52 = arith.subf %slice3A_50, %slice3A_51 : vector<8192x1xf32>
    %mul3A_53 = arith.mulf %sub3A_52, %sub3A_52 : vector<8192x1xf32>
    %slice3A_54 = vector.extract_strided_slice %get3A_1 {offsets = [0, 13], sizes = [8192, 1], strides = [1, 1]} : vector<8192x16xf32> to vector<8192x1xf32>
    %slice3A_55 = vector.extract_strided_slice %get3A_4 {offsets = [0, 13], sizes = [8192, 1], strides = [1, 1]} : vector<8192x128xf32> to vector<8192x1xf32>
    %sub3A_56 = arith.subf %slice3A_54, %slice3A_55 : vector<8192x1xf32>
    %mul3A_57 = arith.mulf %sub3A_56, %sub3A_56 : vector<8192x1xf32>
    %slice3A_58 = vector.extract_strided_slice %get3A_1 {offsets = [0, 14], sizes = [8192, 1], strides = [1, 1]} : vector<8192x16xf32> to vector<8192x1xf32>
    %slice3A_59 = vector.extract_strided_slice %get3A_4 {offsets = [0, 14], sizes = [8192, 1], strides = [1, 1]} : vector<8192x128xf32> to vector<8192x1xf32>
    %sub3A_60 = arith.subf %slice3A_58, %slice3A_59 : vector<8192x1xf32>
    %mul3A_61 = arith.mulf %sub3A_60, %sub3A_60 : vector<8192x1xf32>
    %slice3A_62 = vector.extract_strided_slice %get3A_1 {offsets = [0, 15], sizes = [8192, 1], strides = [1, 1]} : vector<8192x16xf32> to vector<8192x1xf32>
    %slice3A_63 = vector.extract_strided_slice %get3A_4 {offsets = [0, 15], sizes = [8192, 1], strides = [1, 1]} : vector<8192x128xf32> to vector<8192x1xf32>
    %sub3A_64 = arith.subf %slice3A_62, %slice3A_63 : vector<8192x1xf32>
    %mul3A_65 = arith.mulf %sub3A_64, %sub3A_64 : vector<8192x1xf32>
    %add3A = arith.addf %mul3A, %mul3A_37 : vector<8192x1xf32>
    %add3A_66 = arith.addf %mul3A_9, %mul3A_41 : vector<8192x1xf32>
    %add3A_67 = arith.addf %mul3A_13, %mul3A_45 : vector<8192x1xf32>
    %add3A_68 = arith.addf %mul3A_17, %mul3A_49 : vector<8192x1xf32>
    %add3A_69 = arith.addf %mul3A_21, %mul3A_53 : vector<8192x1xf32>
    %add3A_70 = arith.addf %mul3A_25, %mul3A_57 : vector<8192x1xf32>
    %add3A_71 = arith.addf %mul3A_29, %mul3A_61 : vector<8192x1xf32>
    %add3A_72 = arith.addf %mul3A_33, %mul3A_65 : vector<8192x1xf32>
    %add3A_73 = arith.addf %add3A, %add3A_69 : vector<8192x1xf32>
    %add3A_74 = arith.addf %add3A_66, %add3A_70 : vector<8192x1xf32>
    %add3A_75 = arith.addf %add3A_67, %add3A_71 : vector<8192x1xf32>
    %add3A_76 = arith.addf %add3A_68, %add3A_72 : vector<8192x1xf32>
    %add3A_77 = arith.addf %add3A_73, %add3A_75 : vector<8192x1xf32>
    %add3A_78 = arith.addf %add3A_74, %add3A_76 : vector<8192x1xf32>
    %add3A_79 = arith.addf %add3A_77, %add3A_78 : vector<8192x1xf32>
    %sqrt3A = math.sqrt %add3A_79 : vector<8192x1xf32>
    %squeeze3A = vector.shape_cast %sqrt3A : vector<8192x1xf32> to vector<8192xf32>
    %get3A_80 = arith.constant 0 : index
    %get3A_81 = arith.constant 0 : index
    %get3A_82 = vector.load %arg2[%get3A_80, %get3A_81] : memref<8192x128xf32, #tpu.memory_space<vmem>>, vector<8192x128xf32>
    %slice3A_83 = vector.extract_strided_slice %get3A_1 {offsets = [0, 0], sizes = [8192, 1], strides = [1, 1]} : vector<8192x16xf32> to vector<8192x1xf32>
    %slice3A_84 = vector.extract_strided_slice %get3A_82 {offsets = [0, 0], sizes = [8192, 1], strides = [1, 1]} : vector<8192x128xf32> to vector<8192x1xf32>
    %sub3A_85 = arith.subf %slice3A_83, %slice3A_84 : vector<8192x1xf32>
    %mul3A_86 = arith.mulf %sub3A_85, %sub3A_85 : vector<8192x1xf32>
    %slice3A_87 = vector.extract_strided_slice %get3A_1 {offsets = [0, 1], sizes = [8192, 1], strides = [1, 1]} : vector<8192x16xf32> to vector<8192x1xf32>
    %slice3A_88 = vector.extract_strided_slice %get3A_82 {offsets = [0, 1], sizes = [8192, 1], strides = [1, 1]} : vector<8192x128xf32> to vector<8192x1xf32>
    %sub3A_89 = arith.subf %slice3A_87, %slice3A_88 : vector<8192x1xf32>
    %mul3A_90 = arith.mulf %sub3A_89, %sub3A_89 : vector<8192x1xf32>
    %slice3A_91 = vector.extract_strided_slice %get3A_1 {offsets = [0, 2], sizes = [8192, 1], strides = [1, 1]} : vector<8192x16xf32> to vector<8192x1xf32>
    %slice3A_92 = vector.extract_strided_slice %get3A_82 {offsets = [0, 2], sizes = [8192, 1], strides = [1, 1]} : vector<8192x128xf32> to vector<8192x1xf32>
    %sub3A_93 = arith.subf %slice3A_91, %slice3A_92 : vector<8192x1xf32>
    %mul3A_94 = arith.mulf %sub3A_93, %sub3A_93 : vector<8192x1xf32>
    %slice3A_95 = vector.extract_strided_slice %get3A_1 {offsets = [0, 3], sizes = [8192, 1], strides = [1, 1]} : vector<8192x16xf32> to vector<8192x1xf32>
    %slice3A_96 = vector.extract_strided_slice %get3A_82 {offsets = [0, 3], sizes = [8192, 1], strides = [1, 1]} : vector<8192x128xf32> to vector<8192x1xf32>
    %sub3A_97 = arith.subf %slice3A_95, %slice3A_96 : vector<8192x1xf32>
    %mul3A_98 = arith.mulf %sub3A_97, %sub3A_97 : vector<8192x1xf32>
    %slice3A_99 = vector.extract_strided_slice %get3A_1 {offsets = [0, 4], sizes = [8192, 1], strides = [1, 1]} : vector<8192x16xf32> to vector<8192x1xf32>
    %slice3A_100 = vector.extract_strided_slice %get3A_82 {offsets = [0, 4], sizes = [8192, 1], strides = [1, 1]} : vector<8192x128xf32> to vector<8192x1xf32>
    %sub3A_101 = arith.subf %slice3A_99, %slice3A_100 : vector<8192x1xf32>
    %mul3A_102 = arith.mulf %sub3A_101, %sub3A_101 : vector<8192x1xf32>
    %slice3A_103 = vector.extract_strided_slice %get3A_1 {offsets = [0, 5], sizes = [8192, 1], strides = [1, 1]} : vector<8192x16xf32> to vector<8192x1xf32>
    %slice3A_104 = vector.extract_strided_slice %get3A_82 {offsets = [0, 5], sizes = [8192, 1], strides = [1, 1]} : vector<8192x128xf32> to vector<8192x1xf32>
    %sub3A_105 = arith.subf %slice3A_103, %slice3A_104 : vector<8192x1xf32>
    %mul3A_106 = arith.mulf %sub3A_105, %sub3A_105 : vector<8192x1xf32>
    %slice3A_107 = vector.extract_strided_slice %get3A_1 {offsets = [0, 6], sizes = [8192, 1], strides = [1, 1]} : vector<8192x16xf32> to vector<8192x1xf32>
    %slice3A_108 = vector.extract_strided_slice %get3A_82 {offsets = [0, 6], sizes = [8192, 1], strides = [1, 1]} : vector<8192x128xf32> to vector<8192x1xf32>
    %sub3A_109 = arith.subf %slice3A_107, %slice3A_108 : vector<8192x1xf32>
    %mul3A_110 = arith.mulf %sub3A_109, %sub3A_109 : vector<8192x1xf32>
    %slice3A_111 = vector.extract_strided_slice %get3A_1 {offsets = [0, 7], sizes = [8192, 1], strides = [1, 1]} : vector<8192x16xf32> to vector<8192x1xf32>
    %slice3A_112 = vector.extract_strided_slice %get3A_82 {offsets = [0, 7], sizes = [8192, 1], strides = [1, 1]} : vector<8192x128xf32> to vector<8192x1xf32>
    %sub3A_113 = arith.subf %slice3A_111, %slice3A_112 : vector<8192x1xf32>
    %mul3A_114 = arith.mulf %sub3A_113, %sub3A_113 : vector<8192x1xf32>
    %slice3A_115 = vector.extract_strided_slice %get3A_1 {offsets = [0, 8], sizes = [8192, 1], strides = [1, 1]} : vector<8192x16xf32> to vector<8192x1xf32>
    %slice3A_116 = vector.extract_strided_slice %get3A_82 {offsets = [0, 8], sizes = [8192, 1], strides = [1, 1]} : vector<8192x128xf32> to vector<8192x1xf32>
    %sub3A_117 = arith.subf %slice3A_115, %slice3A_116 : vector<8192x1xf32>
    %mul3A_118 = arith.mulf %sub3A_117, %sub3A_117 : vector<8192x1xf32>
    %slice3A_119 = vector.extract_strided_slice %get3A_1 {offsets = [0, 9], sizes = [8192, 1], strides = [1, 1]} : vector<8192x16xf32> to vector<8192x1xf32>
    %slice3A_120 = vector.extract_strided_slice %get3A_82 {offsets = [0, 9], sizes = [8192, 1], strides = [1, 1]} : vector<8192x128xf32> to vector<8192x1xf32>
    %sub3A_121 = arith.subf %slice3A_119, %slice3A_120 : vector<8192x1xf32>
    %mul3A_122 = arith.mulf %sub3A_121, %sub3A_121 : vector<8192x1xf32>
    %slice3A_123 = vector.extract_strided_slice %get3A_1 {offsets = [0, 10], sizes = [8192, 1], strides = [1, 1]} : vector<8192x16xf32> to vector<8192x1xf32>
    %slice3A_124 = vector.extract_strided_slice %get3A_82 {offsets = [0, 10], sizes = [8192, 1], strides = [1, 1]} : vector<8192x128xf32> to vector<8192x1xf32>
    %sub3A_125 = arith.subf %slice3A_123, %slice3A_124 : vector<8192x1xf32>
    %mul3A_126 = arith.mulf %sub3A_125, %sub3A_125 : vector<8192x1xf32>
    %slice3A_127 = vector.extract_strided_slice %get3A_1 {offsets = [0, 11], sizes = [8192, 1], strides = [1, 1]} : vector<8192x16xf32> to vector<8192x1xf32>
    %slice3A_128 = vector.extract_strided_slice %get3A_82 {offsets = [0, 11], sizes = [8192, 1], strides = [1, 1]} : vector<8192x128xf32> to vector<8192x1xf32>
    %sub3A_129 = arith.subf %slice3A_127, %slice3A_128 : vector<8192x1xf32>
    %mul3A_130 = arith.mulf %sub3A_129, %sub3A_129 : vector<8192x1xf32>
    %slice3A_131 = vector.extract_strided_slice %get3A_1 {offsets = [0, 12], sizes = [8192, 1], strides = [1, 1]} : vector<8192x16xf32> to vector<8192x1xf32>
    %slice3A_132 = vector.extract_strided_slice %get3A_82 {offsets = [0, 12], sizes = [8192, 1], strides = [1, 1]} : vector<8192x128xf32> to vector<8192x1xf32>
    %sub3A_133 = arith.subf %slice3A_131, %slice3A_132 : vector<8192x1xf32>
    %mul3A_134 = arith.mulf %sub3A_133, %sub3A_133 : vector<8192x1xf32>
    %slice3A_135 = vector.extract_strided_slice %get3A_1 {offsets = [0, 13], sizes = [8192, 1], strides = [1, 1]} : vector<8192x16xf32> to vector<8192x1xf32>
    %slice3A_136 = vector.extract_strided_slice %get3A_82 {offsets = [0, 13], sizes = [8192, 1], strides = [1, 1]} : vector<8192x128xf32> to vector<8192x1xf32>
    %sub3A_137 = arith.subf %slice3A_135, %slice3A_136 : vector<8192x1xf32>
    %mul3A_138 = arith.mulf %sub3A_137, %sub3A_137 : vector<8192x1xf32>
    %slice3A_139 = vector.extract_strided_slice %get3A_1 {offsets = [0, 14], sizes = [8192, 1], strides = [1, 1]} : vector<8192x16xf32> to vector<8192x1xf32>
    %slice3A_140 = vector.extract_strided_slice %get3A_82 {offsets = [0, 14], sizes = [8192, 1], strides = [1, 1]} : vector<8192x128xf32> to vector<8192x1xf32>
    %sub3A_141 = arith.subf %slice3A_139, %slice3A_140 : vector<8192x1xf32>
    %mul3A_142 = arith.mulf %sub3A_141, %sub3A_141 : vector<8192x1xf32>
    %slice3A_143 = vector.extract_strided_slice %get3A_1 {offsets = [0, 15], sizes = [8192, 1], strides = [1, 1]} : vector<8192x16xf32> to vector<8192x1xf32>
    %slice3A_144 = vector.extract_strided_slice %get3A_82 {offsets = [0, 15], sizes = [8192, 1], strides = [1, 1]} : vector<8192x128xf32> to vector<8192x1xf32>
    %sub3A_145 = arith.subf %slice3A_143, %slice3A_144 : vector<8192x1xf32>
    %mul3A_146 = arith.mulf %sub3A_145, %sub3A_145 : vector<8192x1xf32>
    %add3A_147 = arith.addf %mul3A_86, %mul3A_118 : vector<8192x1xf32>
    %add3A_148 = arith.addf %mul3A_90, %mul3A_122 : vector<8192x1xf32>
    %add3A_149 = arith.addf %mul3A_94, %mul3A_126 : vector<8192x1xf32>
    %add3A_150 = arith.addf %mul3A_98, %mul3A_130 : vector<8192x1xf32>
    %add3A_151 = arith.addf %mul3A_102, %mul3A_134 : vector<8192x1xf32>
    %add3A_152 = arith.addf %mul3A_106, %mul3A_138 : vector<8192x1xf32>
    %add3A_153 = arith.addf %mul3A_110, %mul3A_142 : vector<8192x1xf32>
    %add3A_154 = arith.addf %mul3A_114, %mul3A_146 : vector<8192x1xf32>
    %add3A_155 = arith.addf %add3A_147, %add3A_151 : vector<8192x1xf32>
    %add3A_156 = arith.addf %add3A_148, %add3A_152 : vector<8192x1xf32>
    %add3A_157 = arith.addf %add3A_149, %add3A_153 : vector<8192x1xf32>
    %add3A_158 = arith.addf %add3A_150, %add3A_154 : vector<8192x1xf32>
    %add3A_159 = arith.addf %add3A_155, %add3A_157 : vector<8192x1xf32>
    %add3A_160 = arith.addf %add3A_156, %add3A_158 : vector<8192x1xf32>
    %add3A_161 = arith.addf %add3A_159, %add3A_160 : vector<8192x1xf32>
    %sqrt3A_162 = math.sqrt %add3A_161 : vector<8192x1xf32>
    %squeeze3A_163 = vector.shape_cast %sqrt3A_162 : vector<8192x1xf32> to vector<8192xf32>
    %get3A_164 = arith.constant 0 : index
    %get3A_165 = arith.constant 0 : index
    %get3A_166 = vector.load %arg3[%get3A_164, %get3A_165] : memref<1x8192xi32, #tpu.memory_space<vmem>>, vector<1x8192xi32>
    %get3A_167 = vector.shape_cast %get3A_166 : vector<1x8192xi32> to vector<8192xi32>
    %get3A_168 = arith.constant 0 : index
    %get3A_169 = arith.constant 0 : index
    %get3A_170 = vector.load %arg4[%get3A_168, %get3A_169] : memref<1x8192xi32, #tpu.memory_space<vmem>>, vector<1x8192xi32>
    %get3A_171 = vector.shape_cast %get3A_170 : vector<1x8192xi32> to vector<8192xi32>
    %lt3A = arith.cmpf olt, %squeeze3A_163, %squeeze3A : vector<8192xf32>
    %eq3A = arith.cmpf oeq, %squeeze3A_163, %squeeze3A : vector<8192xf32>
    %lt3A_172 = arith.cmpi slt, %get3A_171, %get3A_167 : vector<8192xi32>
    %and3A = arith.andi %eq3A, %lt3A_172 : vector<8192xi1>
    %or3A = arith.ori %lt3A, %and3A : vector<8192xi1>
    %select_n3A = arith.select %or3A, %get3A_171, %get3A_167 : vector<8192xi1>, vector<8192xi32>
    %swap3A = arith.constant 0 : index
    %swap3A_173 = arith.constant 0 : index
    %swap3A_174 = vector.load %arg5[%swap3A, %swap3A_173] : memref<1x8192xi32, #tpu.memory_space<vmem>>, vector<1x8192xi32>
    %swap3A_175 = vector.shape_cast %swap3A_174 : vector<1x8192xi32> to vector<8192xi32>
    %swap3A_176 = vector.shape_cast %select_n3A : vector<8192xi32> to vector<1x8192xi32>
    tpu.vector_store %arg5[%swap3A, %swap3A_173], %swap3A_176 {strides = array<i32>} : memref<1x8192xi32, #tpu.memory_space<vmem>>, vector<1x8192xi32>,
    return
  }
}

</mosaic_0001>

<sc_bundles>
// kernel: kernel.5.cloned.1.call-start
scs
__scs_entry_jumppad:
0x0: {  	(pc) =	sbr.rel $0x88, $3  }
0x1: {  	(tag) =	ssettag $0x0;
	lr =	simm.s32 $0x1  }
0x2: {  	[smem:$0x3F9E] =	sst lr;
	_ =	strace $0xD0000000  }
0x3: {  	_ = 	snop  }
0x4: {  	_ = 	snop  }
0x5: {  	_ = 	snop  }
0x6: {  	_ = 	snop  }
0x7: {  	_ = 	snop  }
__scs_overlays_trampoline_lowered:
0x8: {  	[smem:$0x3FAD] =	sst s0  }
0x9: {  	[smem:$0x3FAE] =	sst s1  }
0xa: {  	[smem:$0x3FAF] =	sst s2  }
0xb: {  	[smem:$0x3FB0] =	sst s3  }
0xc: {  	[smem:$0x3FB1] =	sst s4  }
0xd: {  	[smem:$0x3FB2] =	sst s5  }
0xe: {  	[smem:$0x3FB3] =	sst s6  }
0xf: {  	[smem:$0x3FB4] =	sst s7  }
0x10: {  	[smem:$0x3FB5] =	sst s8  }
0x11: {  	[smem:$0x3FB6] =	sst s9;
	s0 =	simm.s32 @!p0 $0x0  }
0x12: {  	s1 =	sld [smem:$0x3F9C];
	s0 =	simm.s32 @p0 $0x1  }
0x13: {  	[smem:$0x3FB7] =	sst s0;
	s0 =	simm.s32 @!p1 $0x0  }
0x14: {  	s2 =	sld [smem:$0x3F9B];
	s0 =	simm.s32 @p1 $0x1  }
0x15: {  	[smem:$0x3FB8] =	sst s0;
	s0 =	simm.s32 @!p2 $0x0  }
0x16: {  	s3 =	sld [smem:$0x3FDB];
	s0 =	simm.s32 @p2 $0x1  }
0x17: {  	s4 =	simm.s32 $0x1BF5;
	[smem:$0x3FBA] =	sst s0  }
0x18: {  	s0 =	sld [smem:$0x3F9D];
	_ =	swait.ge [sflag:s4], $0x0  }
0x19: {  	s7 =	sld [smem:$0x3F9E]  }
0x1a: {  	s8 =	sadd.s32 $0xFFFFE003, lr  }
0x1b: {  	s9 =	sadd.s32 $0xFFFFFEF7, lr;
	s5 =	simm.s32 $0xFFFFFFFF;
	p2 =	slt.u32 s8, $0xFFFFF086  }
0x1c: {  	p1 =	slt.u32 s9, $0xF7A;
	s5 =	simm.s32 @!p2 $0x0  }
0x1d: {  	s5 =	simm.s32 @p1 $0x1;
	p0 =	seq.s32 s7, s2  }
0x1e: {  	s7 =	smul.u32 @!p0 $0xF7A, s2;
	p2 =	seq.s32 @!p0 s5, $0x0  }
0x1f: {  	s9 =	smul.u32 $0xF7A, s1;
	s8 =	simm.s32 @!p0 $0x1BF5;
	p2 =	por !p2, p0  }
0x20: {  	[sflag:s8] =	ssyncset.s32 @!p0 $0xFFFFF086;
	s6 =	sadd.s32 @!p0 s3, s7;
	s7 =	simm.s32 @!p0 $0x108  }
0x21: {  	s3 =	sadd.s32 s3, s9;
	s6 =	sadd.s32 @!p0 $0x88, s6;
	s7 =	simm.s32 @p2 $0x1082  }
0x22: {  	[simem:s7], [sflag:s8] =	dma.local @!p0 [hbm:s6], $0xF7A  }
0x23: {  	s9 =	sor.u32 $0xD0000000, s2;
	s6 =	simm.s32 $0x108;
	_ =	swait.ge @!p0 [sflag:s8], $0x0  }
0x24: {  	s3 =	sadd.s32 $0x88, s3;
	s6 =	simm.s32 @!p1 $0x1082;
	[sflag:s4] =	ssyncset.s32 $0xFFFFF086  }
0x25: {  	[simem:s6], [sflag:s4] =	dma.local [hbm:s3], $0xF7A  }
0x26: {  	[smem:$0x3F9E] =	sst s1;
	(tag) =	ssettag s2;
	_ =	strace s9  }
0x27: {  	s1 =	sld [smem:$0x3FAE]  }
0x28: {  	s2 =	sld [smem:$0x3FAF]  }
0x29: {  	s4 =	sld [smem:$0x3FB1]  }
0x2a: {  	p0 =	seq.s32 s5, $0x0;
	s5 =	sld [smem:$0x3FB2]  }
0x2b: {  	s6 =	sld [smem:$0x3FB3]  }
0x2c: {  	s7 =	sld [smem:$0x3FB4]  }
0x2d: {  	s3 =	simm.s32 $0x108;
	s8 =	sld [smem:$0x3FB5]  }
0x2e: {  	s3 =	simm.s32 @!p0 $0x1082;
	s9 =	sld [smem:$0x3FB6]  }
0x2f: {  	lr =	sadd.s32 s0, s3;
	s0 =	sld [smem:$0x3FAD]  }
0x30: {  	s3 =	sld [smem:$0x3FB0]  }
0x31: {  	[smem:$0x3FB9] =	sst s10  }
0x32: {  	s10 =	sld [smem:$0x3FB7];
	_ =	sdelay $0x3  }
0x33: {  	p0 =	seq.s32 s10, $0x1;
	s10 =	sld [smem:$0x3FB9];
	_ =	sdelay $0x3  }
0x34: {  	[smem:$0x3FB9] =	sst s10  }
0x35: {  	s10 =	sld [smem:$0x3FB8];
	_ =	sdelay $0x3  }
0x36: {  	p1 =	seq.s32 s10, $0x1;
	s10 =	sld [smem:$0x3FB9];
	_ =	sdelay $0x3  }
0x37: {  	[smem:$0x3FB9] =	sst s10  }
0x38: {  	s10 =	sld [smem:$0x3FBA]  }
0x39: {  	_ = 	snop;
	(pc) =	sbr.ind lr, $3  }
0x3a: {  	_ = 	snop  }
0x3b: {  	_ = 	snop  }
0x3c: {  	p2 =	seq.s32 s10, $0x1;
	s10 =	sld [smem:$0x3FB9]  }
0x3d: {  	_ =	shalt  }
0x3e: {  	_ =	shalt  }
0x3f: {  	_ =	shalt  }
0x40: {  	_ =	shalt  }
0x41: {  	_ =	shalt  }
0x42: {  	_ =	shalt  }
0x43: {  	_ =	shalt  }
0x44: {  	_ =	shalt  }
0x45: {  	_ =	shalt  }
0x46: {  	_ =	shalt  }
0x47: {  	_ =	shalt  }
0x48: {  	_ =	shalt  }
0x49: {  	_ =	shalt  }
0x4a: {  	_ =	shalt  }
0x4b: {  	_ =	shalt  }
0x4c: {  	_ =	shalt  }
0x4d: {  	_ =	shalt  }
0x4e: {  	_ =	shalt  }
0x4f: {  	_ =	shalt  }
0x50: {  	_ =	shalt  }
0x51: {  	_ =	shalt  }
0x52: {  	_ =	shalt  }
0x53: {  	_ =	shalt  }
0x54: {  	_ =	shalt  }
0x55: {  	_ =	shalt  }
0x56: {  	_ =	shalt  }
0x57: {  	_ =	shalt  }
0x58: {  	_ =	shalt  }
0x59: {  	_ =	shalt  }
0x5a: {  	_ =	shalt  }
0x5b: {  	_ =	shalt  }
0x5c: {  	_ =	shalt  }
0x5d: {  	_ =	shalt  }
0x5e: {  	_ =	shalt  }
0x5f: {  	_ =	shalt  }
0x60: {  	_ =	shalt  }
0x61: {  	_ =	shalt  }
0x62: {  	_ =	shalt  }
0x63: {  	_ =	shalt  }
0x64: {  	_ =	shalt  }
0x65: {  	_ =	shalt  }
0x66: {  	_ =	shalt  }
0x67: {  	_ =	shalt  }
0x68: {  	_ =	shalt  }
0x69: {  	_ =	shalt  }
0x6a: {  	_ =	shalt  }
0x6b: {  	_ =	shalt  }
0x6c: {  	_ =	shalt  }
0x6d: {  	_ =	shalt  }
0x6e: {  	_ =	shalt  }
0x6f: {  	_ =	shalt  }
0x70: {  	_ =	shalt  }
0x71: {  	_ =	shalt  }
0x72: {  	_ =	shalt  }
0x73: {  	_ =	shalt  }
0x74: {  	_ =	shalt  }
0x75: {  	_ =	shalt  }
0x76: {  	_ =	shalt  }
0x77: {  	_ =	shalt  }
0x78: {  	_ =	shalt  }
0x79: {  	_ =	shalt  }
0x7a: {  	_ =	shalt  }
0x7b: {  	_ =	shalt  }
0x7c: {  	_ =	shalt  }
0x7d: {  	_ =	shalt  }
0x7e: {  	_ =	shalt  }
0x7f: {  	_ =	shalt  }
0x80: {  	_ =	shalt  }
0x81: {  	_ =	shalt  }
0x82: {  	_ =	shalt  }
0x83: {  	_ =	shalt  }
0x84: {  	_ =	shalt  }
0x85: {  	_ =	shalt  }
0x86: {  	_ =	shalt  }
0x87: {  	_ =	shalt  }
.Lfunc_end0:
.L_simem_size_0:
called_computation_lowered:
.L_overlay_start_0:
0x88: {  	s2 =	sld [smem:$0x3FD9]  }
0x89: {  	s3 =	sld [smem:$0x3FFE];
	_ =	sdelay $0x1  }
0x8a: {  	s1 =	srdreg.scid  }
0x8b: {  	s0 =	sand.u32 $0x1, s1  }
0x8c: {  	s16 =	sshll.u32 s0, $0xA;
	s2 =	sadd.s32 s3, s2  }
0x8d: {  	s2 =	sadd.s32 s2, s16  }
0x8e: {  	[smem:$0x3FC5] =	sst s2  }
0x8f: {  	_ = 	snop  }
0x90: {  	(tm) =	ssettm $0x1  }
0x91: {  	s17 =	sld [smem:$0x3FFB];
	_ =	sdelay $0x3  }
0x92: {  	_ =	strace s17  }
0x93: {  	s2 =	sld [smem:$0x3FFC];
	_ =	sdelay $0x3  }
0x94: {  	_ =	strace s2  }
0x95: {  	s2 =	sld [smem:$0x3FFD];
	_ =	sdelay $0x3  }
0x96: {  	_ =	strace s2  }
0x97: {  	_ =	strace $0x8FFFFFFF  }
0x98: {  	s18 =	sld [smem:$0x3FDB];
	_ =	sdelay $0x1  }
0x99: {  	s19 =	simm.s32 $_scs_section_size  }
0x9a: {  	s4 =	simm.s32 $_size__tile_overlayer_lowered;
	s5 =	simm.s32 $_tile_overlayer_lowered  }
0x9b: {  	s22 =	simm.s32 $0x1BFF;
	s21 =	sshll.u32 s5, $0x1;
	s2 =	sadd.s32 s19, s18  }
0x9c: {  	s6 =	simm.s32 $0x0;
	s20 =	sshll.u32 s4, $0x1;
	s4 =	sadd.s32 s21, s2  }
0x9d: {  	[timem:s6], [sflag:s22] =	dma.local [hbm:s4], s20  }
0x9e: {  	_ =	swait.ge [sflag:s22], s20  }
0x9f: {  	s3 =	ssub.s32 $0x0, s20;
	[sflag:s22] =	ssyncset.done $0x0  }
0xa0: {  	[sflag:s22] =	ssyncadd.s32 s3;
	_ =	sdelay $0x1  }
0xa1: {  	s23 =	simm.s32 $0x1B8B  }
0xa2: {  	_ =	swait.ge [sflag:s23], $0x1  }
0xa3: {  	[sflag:s23] =	ssyncset.done $0x0  }
0xa4: {  	s25 =	simm.s32 $0x1B8E;
	s24 =	sld [smem:$0x3FFE];
	[sflag:s23] =	ssyncadd.s32 $0xFFFFFFFF  }
0xa5: {  	s26 =	simm.s32 $execute0_lowered;
	[smem:$0x3FD2] =	sst s25  }
0xa6: {  	s4 =	sshll.u32 s26, $0x1;
	_ =	strace $0x80000046;
	[dreg:$0x1] =	wrdreg $0xFFFFFFFF  }
0xa7: {  	s28 =	simm.s32 $_size_execute0_lowered;
	s2 =	sadd.s32 s2, s4;
	[dreg:$0x0] =	wrdreg $0x0  }
0xa8: {  	s4 =	sshll.u32 s28, $0x1;
	[dreg:$0x2] =	wrdreg s2  }
0xa9: {  	[dreg:$0x3] =	wrdreg s4  }
0xaa: {  	[dreg:$0x4] =	wrdreg $0xC0  }
0xab: {  	_ =	task [dreg:s6], $0x5FFFF  }
0xac: {  	[dreg:$0x1] =	wrdreg $0xFFFFFFFF  }
0xad: {  	[dreg:$0x0] =	wrdreg $0x60  }
0xae: {  	[dreg:$0x2] =	wrdreg s24  }
0xaf: {  	[dreg:$0x3] =	wrdreg $0x9  }
0xb0: {  	_ =	task.clear_ibuf [dreg:s6], $0x4FFFF;
	_ =	strace $0x90000046  }
0xb1: {  	s29 =	simm.s32 $0x9;
	_ =	strace $0x80000048  }
0xb2: {  	_ =	swait.ge [sflag:s29], $0x1  }
0xb3: {  	[sflag:s29] =	ssyncadd.s32 $0xFFFFFFFF  }
0xb4: {  	_ =	strace $0x90000048  }
0xb5: {  	_ =	sfence  }
0xb6: {  	s30 =	sld [smem:$0x0];
	_ =	sdelay $0x2  }
0xb7: {  	s31 =	sshll.u32 s1, $0xD;
	s1 =	sshrl.u32 s1, $0x2  }
0xb8: {  	s3 =	sand.u32 $0x4000, s31;
	s1 =	sadd.s32 s1, s30  }
0xb9: {  	s0 =	sor.u32 s3, s0;
	s1 =	sshll.u32 s1, $0x11  }
0xba: {  	s0 =	sor.u32 s1, s0  }
0xbb: {  	s0 =	sadd.s32 $0x8F2B, s0  }
0xbc: {  	[sflag:s0] =	ssyncadd.remote.s32 $0x1  }
0xbd: {  	_ =	sfence.sel $0xFFFF  }
0xbe: {  	[dreg:$0x0] =	wrdreg $0xFFFFFFFF;
	(pc) =	sbr.abs _section_cstart, $3  }
0xbf: {  	[dreg:$0x1] =	wrdreg $0xFFFFFFFF  }
0xc0: {  	_ =	task.clear_ibuf [dreg:s6], $0x2FFFF;
	_ =	strace $0x9FFFFFFF  }
0xc1: {  	(tm) =	ssettm $0x7FFFFFFF  }
tec
execute0_lowered:
.L_overlay_start_1:
0x0: {  	(tag) =	ssettag $0x1  }
0x1: {  	s0 =	srdreg.scid  }
0x2: {  	s12 =	rddreg [dreg:$0x0];
	s13 =	sand.u32 $0x1, s0  }
0x3: {  	s1 =	stileid.u32;
	s2 =	simm.s32 $0x0;
	s3 =	sshll.u32 s13, $0x6  }
0x4: {  	s0 =	rddreg [dreg:$0x1];
	s4 =	sshll.u32 s1, $0x7;
	s3 =	sadd.s32 s3, s12  }
0x5: {  	[smem:$0x7FF] =	sst s2;
	s3 =	sadd.s32 s4, s3  }
0x6: {  	_ =	strace $0x80000047;
	s4 =	sadd.s32 $0x20A00, s3;
	s3 =	simm.s32 $0x2  }
0x7: {  	[tilespmem:s2], [sflag:$0x2] =	stream.linear.gather [hbm4b:s4+s2], $0x200, $0x38;
	[tilespmem:$0x10200] =	vst v63  }
0x8: {  	_ =	swait.ge [sflag:s3], $0x200  }
0x9: {  	s6 =	simm.s32 $0x80;
	s7 =	simm.s32 $0x200;
	[sflag:s3] =	ssyncset.done $0x0  }
0xa: {  	s8 =	simm.s32 $0x1;
	s5 =	sadd.s32 $0xA00, s12;
	[sflag:s3] =	ssyncadd.s32 $0xFFFFFE00  }
0xb: {  	[tilespmem:s7], [sflag:$0x1] =	stream.indirect.gather [hbm4b:s5+s6], $0x80, s2, s6, $0xb8;
	[tilespmem:$0x10200] =	vst v63  }
0xc: {  	_ =	swait.ge [sflag:s8], $0x4000  }
0xd: {  	[sflag:s8] =	ssyncset.done $0x0  }
0xe: {  	s9 =	simm.s32 $0x4200;
	[sflag:s8] =	ssyncadd.s32 $0xFFFFC000  }
0xf: {  	[tilespmem:s9], [sflag:$0x1] =	stream.indirect.gather [hbm4b:s5+s6], $0x80, s6, s6, $0xb8;
	[tilespmem:$0x10200] =	vst v63  }
0x10: {  	_ =	swait.ge [sflag:s8], $0x4000  }
0x11: {  	s10 =	simm.s32 $0x100;
	s11 =	simm.s32 $0x8200;
	[sflag:s8] =	ssyncset.done $0x0  }
0x12: {  	s14 =	sshll.u32 s13, $0xD;
	s15 =	ssub.s32 $0x2, s13;
	[sflag:s8] =	ssyncadd.s32 $0xFFFFC000  }
0x13: {  	[tilespmem:s11], [sflag:$0x1] =	stream.indirect.gather [hbm4b:s5+s6], $0x80, s10, s6, $0xb8;
	[tilespmem:$0x10200] =	vst v63  }
0x14: {  	s13 =	simm.s32 $0xC200;
	s16 =	sshrl.u32 s15, $0x1;
	_ =	swait.ge [sflag:s8], $0x4000  }
0x15: {  	s14 =	sadd.s32 s14, s12;
	s15 =	ssub.s32 s15, s16;
	[sflag:s8] =	ssyncset.done $0x0  }
0x16: {  	s12 =	simm.s32 $0x180;
	s15 =	smax.u32 s15, $0x1;
	[sflag:s8] =	ssyncadd.s32 $0xFFFFC000  }
0x17: {  	[tilespmem:s13], [sflag:$0x1] =	stream.indirect.gather [hbm4b:s5+s6], $0x80, s12, s6, $0xb8;
	[tilespmem:$0x10200] =	vst v63  }
0x18: {  	s17 =	sshll.u32 s1, $0xE;
	p0 =	sne.s32 s15, $0x1;
	_ =	swait.ge [sflag:s8], $0x4000  }
.Ltmp0:
0x19: {  	s14 =	sadd.s32 s17, s14;
	[sflag:s8] =	ssyncset.done $0x0;
	(pc) =	sbr.rel @!p0 .LBB2_2-.Ltmp0, $4  }
0x1a: {  	s14 =	sadd.s32 $0x21200, s14;
	[sflag:s8] =	ssyncadd.s32 $0xFFFFC000  }
0x1b: {  	[hbm4b:s14+s2] =	stream.linear.scatter [tilespmem:s7], [sflag:$0x2], $0x10000, $0x38;
	[tilespmem:$0x10200] =	vst v63  }
0x1c: {  	_ =	swait.ge [sflag:s3], $0x10000  }
0x1d: {  	s15 =	sadd.s32 $0xFFFFFFFF, s15;
	[sflag:s3] =	ssyncset.done $0x0  }
.LBB2_1:
0x1e: {  	p0 =	sne.s32 s15, $0x1;
	s15 =	sadd.s32 $0xFFFFFFFF, s15;
	[sflag:s3] =	ssyncadd.s32 $0xFFFF0000  }
0x1f: {  	[tilespmem:s2], [sflag:$0x2] =	stream.linear.gather [hbm4b:s4+s2], $0x200, $0x38;
	[tilespmem:$0x10200] =	vst v63  }
0x20: {  	_ =	swait.ge [sflag:s3], $0x200  }
0x21: {  	[sflag:s3] =	ssyncset.done $0x0  }
0x22: {  	[sflag:s3] =	ssyncadd.s32 $0xFFFFFE00  }
0x23: {  	[tilespmem:s7], [sflag:$0x1] =	stream.indirect.gather [hbm4b:s5+s6], $0x80, s2, s6, $0xb8;
	[tilespmem:$0x10200] =	vst v63  }
0x24: {  	_ =	swait.ge [sflag:s8], $0x4000  }
0x25: {  	[sflag:s8] =	ssyncset.done $0x0  }
0x26: {  	[sflag:s8] =	ssyncadd.s32 $0xFFFFC000  }
0x27: {  	[tilespmem:s9], [sflag:$0x1] =	stream.indirect.gather [hbm4b:s5+s6], $0x80, s6, s6, $0xb8;
	[tilespmem:$0x10200] =	vst v63  }
0x28: {  	_ =	swait.ge [sflag:s8], $0x4000  }
0x29: {  	[sflag:s8] =	ssyncset.done $0x0  }
0x2a: {  	[sflag:s8] =	ssyncadd.s32 $0xFFFFC000  }
0x2b: {  	[tilespmem:s11], [sflag:$0x1] =	stream.indirect.gather [hbm4b:s5+s6], $0x80, s10, s6, $0xb8;
	[tilespmem:$0x10200] =	vst v63  }
0x2c: {  	_ =	swait.ge [sflag:s8], $0x4000  }
0x2d: {  	[sflag:s8] =	ssyncset.done $0x0  }
0x2e: {  	[sflag:s8] =	ssyncadd.s32 $0xFFFFC000  }
0x2f: {  	[tilespmem:s13], [sflag:$0x1] =	stream.indirect.gather [hbm4b:s5+s6], $0x80, s12, s6, $0xb8;
	[tilespmem:$0x10200] =	vst v63  }
0x30: {  	_ =	swait.ge [sflag:s8], $0x4000  }
.Ltmp1:
0x31: {  	[sflag:s8] =	ssyncset.done $0x0;
	(pc) =	sbr.rel @p0 .LBB2_1-.Ltmp1, $4  }
0x32: {  	[sflag:s8] =	ssyncadd.s32 $0xFFFFC000  }
0x33: {  	[hbm4b:s14+s2] =	stream.linear.scatter [tilespmem:s7], [sflag:$0x2], $0x10000, $0x38;
	[tilespmem:$0x10200] =	vst v63  }
0x34: {  	_ =	swait.ge [sflag:s3], $0x10000  }
0x35: {  	[sflag:s3] =	ssyncset.done $0x0  }
.LBB2_2:
0x36: {  	[sflag:s3] =	ssyncadd.s32 $0xFFFF0000  }
0x37: {  	_ =	sfence.sel $0x180000  }
0x38: {  	[bflag:$0x0] =	sbarrier.arrive $0xFFFF  }
0x39: {  	p0 =	sne.s32 s1, $0x0;
	_ =	strace $0x90000047  }
0x3a: {  	s0 =	sadd.s32 @!p0 $0x100000, s0;
	[bflag:$0x2] =	sbarrier.arrive $0xFFFF  }
0x3b: {  	[sflag:s0] =	ssyncadd.tile.s32 @!p0 $0x1;
	_ =	shalt  }
.Lfunc_end2:
_tile_overlayer_lowered:
.L_overlay_start_2:
0x3c: {  	(tag) =	ssettag $0x2  }
0x3d: {  	s0 =	rddreg [dreg:$0x0];
	s2 =	stileid.u32  }
0x3e: {  	s1 =	rddreg [dreg:$0x1];
	p0 =	sne.s32 s2, $0x0  }
0x3f: {  	s3 =	rddreg [dreg:$0x2];
	[bflag:$0x3] =	sbarrier.arrive $0xFFFF;
	s2 =	simm.s32 @!p0 $0x1C02  }
0x40: {  	[timem:s3], [sflag:s2] =	dma.local @!p0 [hbm:s0], s1  }
0x41: {  	s0 =	simm.s32 @!p0 $0x2  }
0x42: {  	_ =	swait.ge @!p0 [sflag:s0], s1  }
0x43: {  	s1 =	ssub.s32 @!p0 $0x0, s1;
	[sflag:s0] =	ssyncset.done @!p0 $0x0  }
0x44: {  	[sflag:s0] =	ssyncadd.s32 @!p0 s1  }
0x45: {  	[bflag:$0x3] =	sbarrier.arrive $0xFFFF  }
0x46: {  	_ =	shalt  }

</sc_bundles>
